<compile_context>
chip_gen: v7x
topology: tpu7x:2x2x1
jax: 0.10.2.dev20260603
libtpu: 0.0.44.dev20260713+nightly
codegen_flags: <defaults>
</compile_context>

<pallas_src>
import functools

import jax
import jax.numpy as jnp
from jax import lax
from jax.experimental import pallas as pl
from jax.experimental.pallas import tpu as pltpu
from jax.experimental.pallas import tpu_sc as plsc

_N = 50000
_E = 800000
_G = 64

_B = 128
_CHUNK = 2000
_NV = _CHUNK // 16
_EPT = _E // 16
_NCH = _EPT // _CHUNK
_RCH = 128


def _make_sc_agg(D, NC, PP):
    DUMP = NC * 4
    ROWS_ACC = NC * 4 + _B
    RT = (NC * 4) // 16
    NRC = RT // _RCH
    OUT_ROWS = 2 * PP * NC * 4
    NBMAX = (_CHUNK + 2 * _B) // _B + 1

    mesh = plsc.VectorSubcoreMesh(core_axis_name="c", subcore_axis_name="s")

    @functools.partial(
        pl.kernel,
        out_type=jax.ShapeDtypeStruct((OUT_ROWS, D), jnp.float32),
        mesh=mesh,
        compiler_params=pltpu.CompilerParams(
            needs_layout_passes=False, use_tc_tiling_on_sc=False),
        scratch_types=[
            pltpu.VMEM((_CHUNK,), jnp.int32),
            pltpu.VMEM((_CHUNK,), jnp.int32),
            pltpu.VMEM((_CHUNK,), jnp.int32),
            pltpu.VMEM((_CHUNK + 2 * _B,), jnp.int32),
            pltpu.VMEM((NBMAX, _B), jnp.int32),
            pltpu.VMEM((_B, D), jnp.float32),
            pltpu.VMEM((_RCH, D), jnp.float32),
            pltpu.VMEM_SHARED((ROWS_ACC, D), jnp.float32),
            pltpu.SemaphoreType.DMA,
        ],
    )
    def agg(src_hbm, dst_hbm, typ_hbm, table_hbm, out_hbm,
            srcb, dstb, typb, csrc, cidx, rows, zbuf, acc, sem):
        cid = lax.axis_index("c")
        sid = lax.axis_index("s")
        lanes = lax.iota(jnp.int32, 16)
        z16 = jnp.zeros((16,), jnp.float32)

        def _zb(i, carry):
            for j in range(D // 16):
                zbuf[i, pl.ds(j * 16, 16)] = z16
            return carry
        lax.fori_loop(0, _RCH, _zb, 0)

        def one_partition(p, carry):
            lo = (cid * PP + p) * NC

            def _z(k, c):
                pltpu.sync_copy(zbuf, acc.at[pl.ds(sid * RT + k * _RCH, _RCH)])
                return c
            lax.fori_loop(0, NRC, _z, 0)
            plsc.subcore_barrier()

            def _chunk(ch, c):
                eb = sid * _EPT + ch * _CHUNK
                pltpu.sync_copy(src_hbm.at[pl.ds(eb, _CHUNK)],
                                srcb.at[pl.ds(0, _CHUNK)])
                pltpu.sync_copy(dst_hbm.at[pl.ds(eb, _CHUNK)],
                                dstb.at[pl.ds(0, _CHUNK)])
                pltpu.sync_copy(typ_hbm.at[pl.ds(eb, _CHUNK)],
                                typb.at[pl.ds(0, _CHUNK)])

                def _cvec(i, n):
                    off = i * 16
                    d = dstb[pl.ds(off, 16)]
                    s = srcb[pl.ds(off, 16)]
                    t = typb[pl.ds(off, 16)]
                    dl = d - lo
                    m = (dl >= 0) & (dl < NC)
                    ai = dl * 4 + t
                    cs = plsc.cumsum(jnp.ones((16,), jnp.int32), mask=m)
                    pos = n + cs - 1
                    plsc.store_scatter(csrc, [pos], s, mask=m)
                    plsc.store_scatter(
                        cidx, [pos >> 7, pos & (_B - 1)], ai, mask=m)
                    pc = plsc.all_reduce_population_count(m)
                    return n + jnp.max(pc)
                n = lax.fori_loop(0, _NV, _cvec, jnp.int32(0))

                for k in range(_B // 16):
                    pidx = n + k * 16 + lanes
                    plsc.store_scatter(csrc, [pidx], k * 16 + lanes)
                    plsc.store_scatter(cidx,
                                       [pidx >> 7, pidx & (_B - 1)],
                                       DUMP + k * 16 + lanes)

                nb = (n + (_B - 1)) // _B

                def _gs(b, c2):
                    pltpu.async_copy(
                        table_hbm.at[csrc.at[pl.ds(b * _B, _B)]],
                        rows, sem).wait()
                    pltpu.sync_copy(rows, acc.at[cidx.at[b]], add=True)
                    return c2
                lax.fori_loop(0, nb, _gs, 0)
                return c
            lax.fori_loop(0, _NCH, _chunk, 0)
            plsc.subcore_barrier()

            def _ro(k, c):
                lr = sid * RT + k * _RCH
                gr = (cid * PP + p) * NC * 4 + lr
                pltpu.sync_copy(acc.at[pl.ds(lr, _RCH)],
                                rows.at[pl.ds(0, _RCH)])
                pltpu.sync_copy(rows.at[pl.ds(0, _RCH)],
                                out_hbm.at[pl.ds(gr, _RCH)])
                return c
            lax.fori_loop(0, NRC, _ro, 0)
            plsc.subcore_barrier()
            return carry
        lax.fori_loop(0, PP, one_partition, 0)

    return agg


_make_sc_agg = functools.lru_cache(maxsize=None)(_make_sc_agg)

_BLK = 1000
_NB = _N // _BLK


def _tc1_body(x_ref, a_ref, r_ref, w_ref, h_ref, inv_ref):
    a = a_ref[...]
    jr = lax.broadcasted_iota(jnp.int32, (64, 4), 0)
    rc = lax.broadcasted_iota(jnp.int32, (64, 4), 1)
    sel = (jr == rc * 16 + 15).astype(jnp.float32)
    cnt = jnp.dot(a, sel, preferred_element_type=jnp.float32)
    inv = 1.0 / jnp.maximum(cnt, 1.0)
    r2 = lax.broadcasted_iota(jnp.int32, (4, 64), 0)
    jc = lax.broadcasted_iota(jnp.int32, (4, 64), 1)
    exp = (jc // 16 == r2).astype(jnp.float32)
    nagg = a * jnp.dot(inv, exp, preferred_element_type=jnp.float32)
    h = (jnp.dot(x_ref[...], r_ref[...], preferred_element_type=jnp.float32)
         + jnp.dot(nagg, w_ref[...], preferred_element_type=jnp.float32))
    h_ref[...] = jnp.maximum(h, 0.0)
    inv_ref[...] = inv


def _tc2_body(h_ref, a_ref, inv_ref, bf_ref, r_ref, w_ref, b2_ref,
              out_ref, gs, gc):
    i = pl.program_id(0)
    a = a_ref[...]
    inv = inv_ref[...]
    r2 = lax.broadcasted_iota(jnp.int32, (4, 512), 0)
    jc = lax.broadcasted_iota(jnp.int32, (4, 512), 1)
    exp = (jc // 128 == r2).astype(jnp.float32)
    nagg = a * jnp.dot(inv, exp, preferred_element_type=jnp.float32)
    h2 = (jnp.dot(h_ref[...], r_ref[...], preferred_element_type=jnp.float32)
          + jnp.dot(nagg, w_ref[...], preferred_element_type=jnp.float32)
          + b2_ref[...])
    h2 = jnp.maximum(h2, 0.0)
    gids = lax.broadcasted_iota(jnp.int32, (1, _G), 1).astype(jnp.float32)
    oh = (bf_ref[...] == gids).astype(jnp.float32)
    gs_part = lax.dot_general(oh, h2, (((0,), (0,)), ((), ())),
                              preferred_element_type=jnp.float32)
    ones = jnp.ones((_BLK, 128), jnp.float32)
    gc_part = lax.dot_general(oh, ones, (((0,), (0,)), ((), ())),
                              preferred_element_type=jnp.float32)

    @pl.when(i == 0)
    def _():
        gs[...] = gs_part
        gc[...] = gc_part

    @pl.when(i > 0)
    def _():
        gs[...] += gs_part
        gc[...] += gc_part

    @pl.when(i == _NB - 1)
    def _():
        out_ref[...] = gs[...] / jnp.maximum(gc[...], 1.0)


def _tc_layer1(xp, agg1, root1p, w1cat):
    return pl.pallas_call(
        _tc1_body,
        grid=(_NB,),
        in_specs=[
            pl.BlockSpec((_BLK, 16), lambda i: (i, 0)),
            pl.BlockSpec((_BLK, 64), lambda i: (i, 0)),
            pl.BlockSpec((16, 128), lambda i: (0, 0)),
            pl.BlockSpec((64, 128), lambda i: (0, 0)),
        ],
        out_specs=[
            pl.BlockSpec((_BLK, 128), lambda i: (i, 0)),
            pl.BlockSpec((_BLK, 4), lambda i: (i, 0)),
        ],
        out_shape=[
            jax.ShapeDtypeStruct((_N, 128), jnp.float32),
            jax.ShapeDtypeStruct((_N, 4), jnp.float32),
        ],
    )(xp, agg1, root1p, w1cat)


def _tc_layer2(h, agg2, inv, batchf, root2, w2cat, b2):
    return pl.pallas_call(
        _tc2_body,
        grid=(_NB,),
        in_specs=[
            pl.BlockSpec((_BLK, 128), lambda i: (i, 0)),
            pl.BlockSpec((_BLK, 512), lambda i: (i, 0)),
            pl.BlockSpec((_BLK, 4), lambda i: (i, 0)),
            pl.BlockSpec((_BLK, 1), lambda i: (i, 0)),
            pl.BlockSpec((128, 128), lambda i: (0, 0)),
            pl.BlockSpec((512, 128), lambda i: (0, 0)),
            pl.BlockSpec((1, 128), lambda i: (0, 0)),
        ],
        out_specs=pl.BlockSpec((_G, 128), lambda i: (0, 0)),
        out_shape=jax.ShapeDtypeStruct((_G, 128), jnp.float32),
        scratch_shapes=[
            pltpu.VMEM((_G, 128), jnp.float32),
            pltpu.VMEM((_G, 128), jnp.float32),
        ],
    )(h, agg2, inv, batchf, root2, w2cat, b2)


def kernel(x, edge_index, edge_type, batch, W1, root1, b1, W2, root2, b2):
    src = edge_index[0]
    dst = edge_index[1]
    et = edge_type
    xp = jnp.concatenate([x, jnp.ones((_N, 1), x.dtype)], axis=1)
    root1p = jnp.concatenate([root1, b1[None, :]], axis=0)
    w1cat = jnp.pad(W1, ((0, 0), (0, 1), (0, 0))).reshape(64, 128)
    w2cat = W2.reshape(512, 128)
    batchf = batch.astype(jnp.float32).reshape(_N, 1)

    sc_agg1 = _make_sc_agg(16, 25088, 1)
    sc_agg2 = _make_sc_agg(128, 2560, 10)
    agg1 = sc_agg1(src, dst, et, xp)[:_N * 4].reshape(_N, 64)
    h, inv = _tc_layer1(xp, agg1, root1p, w1cat)
    agg2 = sc_agg2(src, dst, et, h)[:_N * 4].reshape(_N, 512)
    return _tc_layer2(h, agg2, inv, batchf, root2, w2cat,
                      b2.reshape(1, 128))

# --- scband reference (transcript-rebuilt; emitter-appended) ---
"""Pipeline reference for scband-basic-rgcn-25391846653982 (READ-ONLY COPY).

The authoritative reference and input builder live on the scoring server;
editing this copy changes nothing except your own understanding.
"""

import jax, jax.numpy as jnp
import numpy as np

N_NODES = 50000
N_EDGES = 800000
NUM_RELATIONS = 4
IN_DIM = 15
HID = 128
NUM_GRAPHS = 64


def rgcn_conv(x, src, dst, edge_type, W, root, bias, num_nodes):
    # PyG RGCNConv with aggr='mean': per-relation mean aggregation + root transform + bias
    out = x @ root + bias
    for r in range(NUM_RELATIONS):
        h = x @ W[r]
        mask = (edge_type == r).astype(h.dtype)
        msg = h[src] * mask[:, None]
        summed = jax.ops.segment_sum(msg, dst, num_segments=num_nodes)
        cnt = jax.ops.segment_sum(mask, dst, num_segments=num_nodes)
        out = out + summed / jnp.maximum(cnt, 1.0)[:, None]
    return out


def global_mean_pool(x, batch, num_graphs):
    sums = jax.ops.segment_sum(x, batch, num_segments=num_graphs)
    cnt = jax.ops.segment_sum(jnp.ones((x.shape[0],), dtype=x.dtype), batch, num_segments=num_graphs)
    return sums / jnp.maximum(cnt, 1.0)[:, None]


def setup_inputs(seed: int = 0):
    key = jax.random.key(seed)
    ks = jax.random.split(key, 12)
    x = jax.random.normal(ks[0], (N_NODES, IN_DIM), dtype=jnp.float32)
    edge_index = jax.random.randint(ks[1], (2, N_EDGES), 0, N_NODES, dtype=jnp.int32)
    edge_type = jax.random.randint(ks[2], (N_EDGES,), 0, NUM_RELATIONS, dtype=jnp.int32)
    batch = jnp.sort(jax.random.randint(ks[3], (N_NODES,), 0, NUM_GRAPHS, dtype=jnp.int32))
    s1 = 1.0 / np.sqrt(IN_DIM)
    s2 = 1.0 / np.sqrt(HID)
    W1 = jax.random.normal(ks[4], (NUM_RELATIONS, IN_DIM, HID), dtype=jnp.float32) * s1
    root1 = jax.random.normal(ks[5], (IN_DIM, HID), dtype=jnp.float32) * s1
    b1 = jnp.zeros((HID,), dtype=jnp.float32)
    W2 = jax.random.normal(ks[6], (NUM_RELATIONS, HID, HID), dtype=jnp.float32) * s2
    root2 = jax.random.normal(ks[7], (HID, HID), dtype=jnp.float32) * s2
    b2 = jnp.zeros((HID,), dtype=jnp.float32)
    return {"x": x, "edge_index": edge_index, "edge_type": edge_type, "batch": batch,
            "W1": W1, "root1": root1, "b1": b1, "W2": W2, "root2": root2, "b2": b2}


def reference(x, edge_index, edge_type, batch, W1, root1, b1, W2, root2, b2):
    src, dst = edge_index[0], edge_index[1]
    h = rgcn_conv(x, src, dst, edge_type, W1, root1, b1, N_NODES)
    h = jax.nn.relu(h)
    h = rgcn_conv(h, src, dst, edge_type, W2, root2, b2, N_NODES)
    h = jax.nn.relu(h)
    return global_mean_pool(h, batch, NUM_GRAPHS)

if __name__ == "__main__":
    import jax
    _d = setup_inputs()
    print(jax.jit(kernel)(*tuple(_d.values())))

</pallas_src>

<mosaic_0001>
#map = affine_map<(d0, d1) -> (0)>
#map1 = affine_map<(d0, d1) -> (0, 0)>
module attributes {stable_mosaic.version = 14 : i64} {
  func.func @agg(%arg0: i32, %arg1: i32, %arg2: memref<800000xi32, #tpu.memory_space<hbm>>, %arg3: memref<800000xi32, #tpu.memory_space<hbm>>, %arg4: memref<800000xi32, #tpu.memory_space<hbm>>, %arg5: memref<50000x16xf32, #tpu.memory_space<hbm>>, %arg6: memref<200704x16xf32, #tpu.memory_space<hbm>>, %arg7: memref<2000xi32, #tpu.memory_space<vmem>>, %arg8: memref<2000xi32, #tpu.memory_space<vmem>>, %arg9: memref<2000xi32, #tpu.memory_space<vmem>>, %arg10: memref<2256xi32, #tpu.memory_space<vmem>>, %arg11: memref<18x128xi32, #tpu.memory_space<vmem>>, %arg12: memref<128x16xf32, #tpu.memory_space<vmem>>, %arg13: memref<128x16xf32, #tpu.memory_space<vmem>>, %arg14: memref<100480x16xf32, #tpu.memory_space<vmem_shared>>, %arg15: memref<!tpu.dma_semaphore, #tpu.memory_space<semaphore_mem>>) attributes {dimension_semantics = [#tpu.dimension_semantics<core_parallel>, #tpu.dimension_semantics<subcore_parallel>], iteration_bounds = array<i64: 2, 16>, scalar_prefetch = 0 : i64, scratch_operands = 9 : i64, tpu.core_type = #tpu.core_type<sc_vector_subcore>, window_params = [{transform_indices = #map}, {transform_indices = #map}, {transform_indices = #map}, {transform_indices = #map1}, {transform_indices = #map1}]} {
    %iota3A = tpu.iota {dimensions = array<i32: 0>} : vector<16xi32>
    %broadcast_in_dim3A = arith.constant 0.000000e+00 : f32
    %broadcast_in_dim3A_0 = vector.broadcast %broadcast_in_dim3A : f32 to vector<16xf32>
    %scan3A = arith.constant 0 : i32
    %scan3A_1 = arith.constant 0 : i32
    %scan3A_2 = arith.constant 128 : i32
    %scan3A_3 = arith.addi %scan3A_1, %scan3A_2 : i32
    %scan3A_4 = arith.constant 1 : i32
    scf.for %scan3A_32 = %scan3A_1 to %scan3A_3 step %scan3A_4  : i32 {
      %swap3A = arith.index_cast %scan3A_32 : i32 to index
      %swap3A_33 = arith.constant 0 : index
      %swap3A_34 = tpu.vector_load %arg13[%swap3A, %swap3A_33] {strides = array<i32>} : memref<128x16xf32, #tpu.memory_space<vmem>>, vector<16xf32>,
      tpu.vector_store %arg13[%swap3A, %swap3A_33], %broadcast_in_dim3A_0 {strides = array<i32>} : memref<128x16xf32, #tpu.memory_space<vmem>>, vector<16xf32>,
    }
    %scan3A_5 = arith.constant 128 : i32
    %scan3A_6 = arith.constant 0 : i32
    %scan3A_7 = arith.constant 0 : i32
    %mul3A = arith.constant 1 : i32
    %mul3A_8 = arith.muli %arg0, %mul3A : i32
    %add3A = arith.addi %mul3A_8, %scan3A_7 : i32
    %mul3A_9 = arith.constant 25088 : i32
    %mul3A_10 = arith.muli %add3A, %mul3A_9 : i32
    %scan3A_11 = arith.constant 0 : i32
    %scan3A_12 = arith.constant 0 : i32
    %scan3A_13 = arith.constant 49 : i32
    %scan3A_14 = arith.addi %scan3A_12, %scan3A_13 : i32
    %scan3A_15 = arith.constant 1 : i32
    scf.for %scan3A_32 = %scan3A_12 to %scan3A_14 step %scan3A_15  : i32 {
      %mul3A_33 = arith.constant 6272 : i32
      %mul3A_34 = arith.muli %arg1, %mul3A_33 : i32
      %mul3A_35 = arith.constant 128 : i32
      %mul3A_36 = arith.muli %scan3A_32, %mul3A_35 : i32
      %add3A_37 = arith.addi %mul3A_34, %mul3A_36 : i32
      "tpu.region"() ({
        %run_scoped3A = tpu.sem_alloc : memref<!tpu.dma_semaphore, #tpu.memory_space<semaphore_mem>>
        %dma_start3A = arith.constant 0 : i32
        %dma_start3A_38 = tpu.memref_slice %arg14[%add3A_37, %dma_start3A] : memref<100480x16xf32, #tpu.memory_space<vmem_shared>> -> memref<128x16xf32, #tpu.memory_space<vmem_shared>>
        %dma_start3A_39 = arith.constant 0 : i32
        %dma_start3A_40 = tpu.memref_slice %arg14[%add3A_37, %dma_start3A_39] : memref<100480x16xf32, #tpu.memory_space<vmem_shared>> -> memref<128x16xf32, #tpu.memory_space<vmem_shared>>
        tpu.enqueue_dma source(%arg13 : memref<128x16xf32, #tpu.memory_space<vmem>>) target(%dma_start3A_40 : memref<128x16xf32, #tpu.memory_space<vmem_shared>>) target_semaphore(%run_scoped3A : memref<!tpu.dma_semaphore, #tpu.memory_space<semaphore_mem>>)
        %dma_wait3A = arith.constant 0 : i32
        %dma_wait3A_41 = tpu.memref_slice %arg14[%add3A_37, %dma_wait3A] : memref<100480x16xf32, #tpu.memory_space<vmem_shared>> -> memref<128x16xf32, #tpu.memory_space<vmem_shared>>
        %dma_wait3A_42 = arith.constant 0 : i32
        %dma_wait3A_43 = tpu.memref_slice %arg14[%add3A_37, %dma_wait3A_42] : memref<100480x16xf32, #tpu.memory_space<vmem_shared>> -> memref<128x16xf32, #tpu.memory_space<vmem_shared>>
        tpu.wait_dma2 semaphore(%run_scoped3A : memref<!tpu.dma_semaphore, #tpu.memory_space<semaphore_mem>>) src(%arg13 : memref<128x16xf32, #tpu.memory_space<vmem>>) dst(%dma_wait3A_43 : memref<128x16xf32, #tpu.memory_space<vmem_shared>>)
        tpu.yield
      }) : () -> ()
    }
    %scan3A_16 = arith.constant 49 : i32
    %barrier3A = arith.constant 0 : index
    tpu.barrier barrier_id(%barrier3A)
    %scan3A_17 = arith.constant 0 : i32
    %scan3A_18 = arith.constant 0 : i32
    %scan3A_19 = arith.constant 25 : i32
    %scan3A_20 = arith.addi %scan3A_18, %scan3A_19 : i32
    %scan3A_21 = arith.constant 1 : i32
    scf.for %scan3A_32 = %scan3A_18 to %scan3A_20 step %scan3A_21  : i32 {
      %mul3A_33 = arith.constant 50000 : i32
      %mul3A_34 = arith.muli %arg1, %mul3A_33 : i32
      %mul3A_35 = arith.constant 2000 : i32
      %mul3A_36 = arith.muli %scan3A_32, %mul3A_35 : i32
      %add3A_37 = arith.addi %mul3A_34, %mul3A_36 : i32
      "tpu.region"() ({
        %run_scoped3A = tpu.sem_alloc : memref<!tpu.dma_semaphore, #tpu.memory_space<semaphore_mem>>
        %dma_start3A = arith.constant 0 : i32
        %dma_start3A_199 = tpu.memref_slice %arg7[%dma_start3A] : memref<2000xi32, #tpu.memory_space<vmem>> -> memref<2000xi32, #tpu.memory_space<vmem>>
        %dma_start3A_200 = tpu.memref_slice %arg2[%add3A_37] : memref<800000xi32, #tpu.memory_space<hbm>> -> memref<2000xi32, #tpu.memory_space<hbm>>
        %dma_start3A_201 = arith.constant 0 : i32
        %dma_start3A_202 = tpu.memref_slice %arg7[%dma_start3A_201] : memref<2000xi32, #tpu.memory_space<vmem>> -> memref<2000xi32, #tpu.memory_space<vmem>>
        %dma_start3A_203 = tpu.memref_slice %arg2[%add3A_37] : memref<800000xi32, #tpu.memory_space<hbm>> -> memref<2000xi32, #tpu.memory_space<hbm>>
        tpu.enqueue_dma source(%dma_start3A_203 : memref<2000xi32, #tpu.memory_space<hbm>>) target(%dma_start3A_202 : memref<2000xi32, #tpu.memory_space<vmem>>) target_semaphore(%run_scoped3A : memref<!tpu.dma_semaphore, #tpu.memory_space<semaphore_mem>>)
        %dma_wait3A = arith.constant 0 : i32
        %dma_wait3A_204 = tpu.memref_slice %arg7[%dma_wait3A] : memref<2000xi32, #tpu.memory_space<vmem>> -> memref<2000xi32, #tpu.memory_space<vmem>>
        %dma_wait3A_205 = tpu.memref_slice %arg2[%add3A_37] : memref<800000xi32, #tpu.memory_space<hbm>> -> memref<2000xi32, #tpu.memory_space<hbm>>
        %dma_wait3A_206 = arith.constant 0 : i32
        %dma_wait3A_207 = tpu.memref_slice %arg7[%dma_wait3A_206] : memref<2000xi32, #tpu.memory_space<vmem>> -> memref<2000xi32, #tpu.memory_space<vmem>>
        %dma_wait3A_208 = tpu.memref_slice %arg2[%add3A_37] : memref<800000xi32, #tpu.memory_space<hbm>> -> memref<2000xi32, #tpu.memory_space<hbm>>
        tpu.wait_dma2 semaphore(%run_scoped3A : memref<!tpu.dma_semaphore, #tpu.memory_space<semaphore_mem>>) src(%dma_wait3A_208 : memref<2000xi32, #tpu.memory_space<hbm>>) dst(%dma_wait3A_207 : memref<2000xi32, #tpu.memory_space<vmem>>)
        tpu.yield
      }) : () -> ()
      "tpu.region"() ({
        %run_scoped3A = tpu.sem_alloc : memref<!tpu.dma_semaphore, #tpu.memory_space<semaphore_mem>>
        %dma_start3A = arith.constant 0 : i32
        %dma_start3A_199 = tpu.memref_slice %arg8[%dma_start3A] : memref<2000xi32, #tpu.memory_space<vmem>> -> memref<2000xi32, #tpu.memory_space<vmem>>
        %dma_start3A_200 = tpu.memref_slice %arg3[%add3A_37] : memref<800000xi32, #tpu.memory_space<hbm>> -> memref<2000xi32, #tpu.memory_space<hbm>>
        %dma_start3A_201 = arith.constant 0 : i32
        %dma_start3A_202 = tpu.memref_slice %arg8[%dma_start3A_201] : memref<2000xi32, #tpu.memory_space<vmem>> -> memref<2000xi32, #tpu.memory_space<vmem>>
        %dma_start3A_203 = tpu.memref_slice %arg3[%add3A_37] : memref<800000xi32, #tpu.memory_space<hbm>> -> memref<2000xi32, #tpu.memory_space<hbm>>
        tpu.enqueue_dma source(%dma_start3A_203 : memref<2000xi32, #tpu.memory_space<hbm>>) target(%dma_start3A_202 : memref<2000xi32, #tpu.memory_space<vmem>>) target_semaphore(%run_scoped3A : memref<!tpu.dma_semaphore, #tpu.memory_space<semaphore_mem>>)
        %dma_wait3A = arith.constant 0 : i32
        %dma_wait3A_204 = tpu.memref_slice %arg8[%dma_wait3A] : memref<2000xi32, #tpu.memory_space<vmem>> -> memref<2000xi32, #tpu.memory_space<vmem>>
        %dma_wait3A_205 = tpu.memref_slice %arg3[%add3A_37] : memref<800000xi32, #tpu.memory_space<hbm>> -> memref<2000xi32, #tpu.memory_space<hbm>>
        %dma_wait3A_206 = arith.constant 0 : i32
        %dma_wait3A_207 = tpu.memref_slice %arg8[%dma_wait3A_206] : memref<2000xi32, #tpu.memory_space<vmem>> -> memref<2000xi32, #tpu.memory_space<vmem>>
        %dma_wait3A_208 = tpu.memref_slice %arg3[%add3A_37] : memref<800000xi32, #tpu.memory_space<hbm>> -> memref<2000xi32, #tpu.memory_space<hbm>>
        tpu.wait_dma2 semaphore(%run_scoped3A : memref<!tpu.dma_semaphore, #tpu.memory_space<semaphore_mem>>) src(%dma_wait3A_208 : memref<2000xi32, #tpu.memory_space<hbm>>) dst(%dma_wait3A_207 : memref<2000xi32, #tpu.memory_space<vmem>>)
        tpu.yield
      }) : () -> ()
      "tpu.region"() ({
        %run_scoped3A = tpu.sem_alloc : memref<!tpu.dma_semaphore, #tpu.memory_space<semaphore_mem>>
        %dma_start3A = arith.constant 0 : i32
        %dma_start3A_199 = tpu.memref_slice %arg9[%dma_start3A] : memref<2000xi32, #tpu.memory_space<vmem>> -> memref<2000xi32, #tpu.memory_space<vmem>>
        %dma_start3A_200 = tpu.memref_slice %arg4[%add3A_37] : memref<800000xi32, #tpu.memory_space<hbm>> -> memref<2000xi32, #tpu.memory_space<hbm>>
        %dma_start3A_201 = arith.constant 0 : i32
        %dma_start3A_202 = tpu.memref_slice %arg9[%dma_start3A_201] : memref<2000xi32, #tpu.memory_space<vmem>> -> memref<2000xi32, #tpu.memory_space<vmem>>
        %dma_start3A_203 = tpu.memref_slice %arg4[%add3A_37] : memref<800000xi32, #tpu.memory_space<hbm>> -> memref<2000xi32, #tpu.memory_space<hbm>>
        tpu.enqueue_dma source(%dma_start3A_203 : memref<2000xi32, #tpu.memory_space<hbm>>) target(%dma_start3A_202 : memref<2000xi32, #tpu.memory_space<vmem>>) target_semaphore(%run_scoped3A : memref<!tpu.dma_semaphore, #tpu.memory_space<semaphore_mem>>)
        %dma_wait3A = arith.constant 0 : i32
        %dma_wait3A_204 = tpu.memref_slice %arg9[%dma_wait3A] : memref<2000xi32, #tpu.memory_space<vmem>> -> memref<2000xi32, #tpu.memory_space<vmem>>
        %dma_wait3A_205 = tpu.memref_slice %arg4[%add3A_37] : memref<800000xi32, #tpu.memory_space<hbm>> -> memref<2000xi32, #tpu.memory_space<hbm>>
        %dma_wait3A_206 = arith.constant 0 : i32
        %dma_wait3A_207 = tpu.memref_slice %arg9[%dma_wait3A_206] : memref<2000xi32, #tpu.memory_space<vmem>> -> memref<2000xi32, #tpu.memory_space<vmem>>
        %dma_wait3A_208 = tpu.memref_slice %arg4[%add3A_37] : memref<800000xi32, #tpu.memory_space<hbm>> -> memref<2000xi32, #tpu.memory_space<hbm>>
        tpu.wait_dma2 semaphore(%run_scoped3A : memref<!tpu.dma_semaphore, #tpu.memory_space<semaphore_mem>>) src(%dma_wait3A_208 : memref<2000xi32, #tpu.memory_space<hbm>>) dst(%dma_wait3A_207 : memref<2000xi32, #tpu.memory_space<vmem>>)
        tpu.yield
      }) : () -> ()
      %scan3A_38 = arith.constant 0 : i32
      %scan3A_39 = arith.constant 0 : i32
      %scan3A_40 = arith.constant 125 : i32
      %scan3A_41 = arith.addi %scan3A_39, %scan3A_40 : i32
      %scan3A_42 = arith.constant 1 : i32
      %scan3A_43 = scf.for %scan3A_199 = %scan3A_39 to %scan3A_41 step %scan3A_42 iter_args(%scan3A_200 = %scan3A_38) -> (i32)  : i32 {
        %mul3A_201 = arith.constant 16 : i32
        %mul3A_202 = arith.muli %scan3A_199, %mul3A_201 : i32
        %get3A = arith.index_cast %mul3A_202 : i32 to index
        %get3A_203 = tpu.vector_load %arg8[%get3A] {strides = array<i32>} : memref<2000xi32, #tpu.memory_space<vmem>>, vector<16xi32>,
        %get3A_204 = arith.index_cast %mul3A_202 : i32 to index
        %get3A_205 = tpu.vector_load %arg7[%get3A_204] {strides = array<i32>} : memref<2000xi32, #tpu.memory_space<vmem>>, vector<16xi32>,
        %get3A_206 = arith.index_cast %mul3A_202 : i32 to index
        %get3A_207 = tpu.vector_load %arg9[%get3A_206] {strides = array<i32>} : memref<2000xi32, #tpu.memory_space<vmem>>, vector<16xi32>,
        %sub3A_208 = vector.broadcast %mul3A_10 : i32 to vector<16xi32>
        %sub3A_209 = arith.subi %get3A_203, %sub3A_208 : vector<16xi32>
        %ge3A = arith.constant 0 : i32
        %ge3A_210 = vector.broadcast %ge3A : i32 to vector<16xi32>
        %ge3A_211 = arith.cmpi sge, %sub3A_209, %ge3A_210 : vector<16xi32>
        %lt3A = arith.constant 25088 : i32
        %lt3A_212 = vector.broadcast %lt3A : i32 to vector<16xi32>
        %lt3A_213 = arith.cmpi slt, %sub3A_209, %lt3A_212 : vector<16xi32>
        %and3A_214 = arith.andi %ge3A_211, %lt3A_213 : vector<16xi1>
        %mul3A_215 = arith.constant 4 : i32
        %mul3A_216 = vector.broadcast %mul3A_215 : i32 to vector<16xi32>
        %mul3A_217 = arith.muli %sub3A_209, %mul3A_216 : vector<16xi32>
        %add3A_218 = arith.addi %mul3A_217, %get3A_207 : vector<16xi32>
        %broadcast_in_dim3A_219 = arith.constant 1 : i32
        %broadcast_in_dim3A_220 = vector.broadcast %broadcast_in_dim3A_219 : i32 to vector<16xi32>
        %masked_cumsum3A = tpu.scan <sum>, %broadcast_in_dim3A_220 masked %and3A_214 : vector<16xi32>, vector<16xi1> -> vector<16xi32>
        %add3A_221 = vector.broadcast %scan3A_200 : i32 to vector<16xi32>
        %add3A_222 = arith.addi %add3A_221, %masked_cumsum3A : vector<16xi32>
        %sub3A_223 = arith.constant 1 : i32
        %sub3A_224 = vector.broadcast %sub3A_223 : i32 to vector<16xi32>
        %sub3A_225 = arith.subi %add3A_222, %sub3A_224 : vector<16xi32>
        tpu.vector_store_idx %arg10[%sub3A_225], %get3A_205 masked %and3A_214 : memref<2256xi32, #tpu.memory_space<vmem>>[vector<16xi32>], vector<16xi32>, vector<16xi1>
        %shift_right_arithmetic3A_226 = arith.constant 7 : i32
        %shift_right_arithmetic3A_227 = vector.broadcast %shift_right_arithmetic3A_226 : i32 to vector<16xi32>
        %shift_right_arithmetic3A_228 = arith.shrsi %sub3A_225, %shift_right_arithmetic3A_227 : vector<16xi32>
        %and3A_229 = arith.constant 127 : i32
        %and3A_230 = vector.broadcast %and3A_229 : i32 to vector<16xi32>
        %and3A_231 = arith.andi %sub3A_225, %and3A_230 : vector<16xi32>
        tpu.vector_store_idx %arg11[%shift_right_arithmetic3A_228, %and3A_231], %add3A_218 masked %and3A_214 : memref<18x128xi32, #tpu.memory_space<vmem>>[vector<16xi32>, vector<16xi32>], vector<16xi32>, vector<16xi1>
        %all_reduce_population_count3A = tpu.all_reduce %and3A_214 {dim = 0 : i64, kind = #tpu.reduction_kind<sum>} : vector<16xi1> -> vector<16xi32>
        %reduce_max3A = arith.constant true
        %reduce_max3A_232 = vector.broadcast %reduce_max3A : i1 to vector<16xi1>
        %reduce_max3A_233 = arith.constant -2147483648 : i32
        %reduce_max3A_234 = vector.broadcast %reduce_max3A_233 : i32 to vector<16xi32>
        %reduce_max3A_235 = arith.xori %all_reduce_population_count3A, %reduce_max3A_234 : vector<16xi32>
        %reduce_max3A_236 = tpu.scan <max>, %reduce_max3A_235 masked %reduce_max3A_232 : vector<16xi32>, vector<16xi1> -> vector<16xi32>
        %reduce_max3A_237 = arith.xori %reduce_max3A_236, %reduce_max3A_234 : vector<16xi32>
        %reduce_max3A_238 = vector.extract %reduce_max3A_237[15] : i32 from vector<16xi32>
        %add3A_239 = arith.addi %scan3A_200, %reduce_max3A_238 : i32
        scf.yield %add3A_239 : i32
      }
      %scan3A_44 = arith.constant 125 : i32
      %add3A_45 = arith.constant 0 : i32
      %add3A_46 = arith.addi %scan3A_43, %add3A_45 : i32
      %add3A_47 = vector.broadcast %add3A_46 : i32 to vector<16xi32>
      %add3A_48 = arith.addi %add3A_47, %iota3A : vector<16xi32>
      %add3A_49 = arith.constant 0 : i32
      %add3A_50 = vector.broadcast %add3A_49 : i32 to vector<16xi32>
      %add3A_51 = arith.addi %add3A_50, %iota3A : vector<16xi32>
      tpu.vector_store_idx %arg10[%add3A_48], %add3A_51 : memref<2256xi32, #tpu.memory_space<vmem>>[vector<16xi32>], vector<16xi32>,
      %shift_right_arithmetic3A = arith.constant 7 : i32
      %shift_right_arithmetic3A_52 = vector.broadcast %shift_right_arithmetic3A : i32 to vector<16xi32>
      %shift_right_arithmetic3A_53 = arith.shrsi %add3A_48, %shift_right_arithmetic3A_52 : vector<16xi32>
      %and3A = arith.constant 127 : i32
      %and3A_54 = vector.broadcast %and3A : i32 to vector<16xi32>
      %and3A_55 = arith.andi %add3A_48, %and3A_54 : vector<16xi32>
      %add3A_56 = arith.constant 100352 : i32
      %add3A_57 = vector.broadcast %add3A_56 : i32 to vector<16xi32>
      %add3A_58 = arith.addi %add3A_57, %iota3A : vector<16xi32>
      tpu.vector_store_idx %arg11[%shift_right_arithmetic3A_53, %and3A_55], %add3A_58 : memref<18x128xi32, #tpu.memory_space<vmem>>[vector<16xi32>, vector<16xi32>], vector<16xi32>,
      %add3A_59 = arith.constant 16 : i32
      %add3A_60 = arith.addi %scan3A_43, %add3A_59 : i32
      %add3A_61 = vector.broadcast %add3A_60 : i32 to vector<16xi32>
      %add3A_62 = arith.addi %add3A_61, %iota3A : vector<16xi32>
      %add3A_63 = arith.constant 16 : i32
      %add3A_64 = vector.broadcast %add3A_63 : i32 to vector<16xi32>
      %add3A_65 = arith.addi %add3A_64, %iota3A : vector<16xi32>
      tpu.vector_store_idx %arg10[%add3A_62], %add3A_65 : memref<2256xi32, #tpu.memory_space<vmem>>[vector<16xi32>], vector<16xi32>,
      %shift_right_arithmetic3A_66 = arith.constant 7 : i32
      %shift_right_arithmetic3A_67 = vector.broadcast %shift_right_arithmetic3A_66 : i32 to vector<16xi32>
      %shift_right_arithmetic3A_68 = arith.shrsi %add3A_62, %shift_right_arithmetic3A_67 : vector<16xi32>
      %and3A_69 = arith.constant 127 : i32
      %and3A_70 = vector.broadcast %and3A_69 : i32 to vector<16xi32>
      %and3A_71 = arith.andi %add3A_62, %and3A_70 : vector<16xi32>
      %add3A_72 = arith.constant 100368 : i32
      %add3A_73 = vector.broadcast %add3A_72 : i32 to vector<16xi32>
      %add3A_74 = arith.addi %add3A_73, %iota3A : vector<16xi32>
      tpu.vector_store_idx %arg11[%shift_right_arithmetic3A_68, %and3A_71], %add3A_74 : memref<18x128xi32, #tpu.memory_space<vmem>>[vector<16xi32>, vector<16xi32>], vector<16xi32>,
      %add3A_75 = arith.constant 32 : i32
      %add3A_76 = arith.addi %scan3A_43, %add3A_75 : i32
      %add3A_77 = vector.broadcast %add3A_76 : i32 to vector<16xi32>
      %add3A_78 = arith.addi %add3A_77, %iota3A : vector<16xi32>
      %add3A_79 = arith.constant 32 : i32
      %add3A_80 = vector.broadcast %add3A_79 : i32 to vector<16xi32>
      %add3A_81 = arith.addi %add3A_80, %iota3A : vector<16xi32>
      tpu.vector_store_idx %arg10[%add3A_78], %add3A_81 : memref<2256xi32, #tpu.memory_space<vmem>>[vector<16xi32>], vector<16xi32>,
      %shift_right_arithmetic3A_82 = arith.constant 7 : i32
      %shift_right_arithmetic3A_83 = vector.broadcast %shift_right_arithmetic3A_82 : i32 to vector<16xi32>
      %shift_right_arithmetic3A_84 = arith.shrsi %add3A_78, %shift_right_arithmetic3A_83 : vector<16xi32>
      %and3A_85 = arith.constant 127 : i32
      %and3A_86 = vector.broadcast %and3A_85 : i32 to vector<16xi32>
      %and3A_87 = arith.andi %add3A_78, %and3A_86 : vector<16xi32>
      %add3A_88 = arith.constant 100384 : i32
      %add3A_89 = vector.broadcast %add3A_88 : i32 to vector<16xi32>
      %add3A_90 = arith.addi %add3A_89, %iota3A : vector<16xi32>
      tpu.vector_store_idx %arg11[%shift_right_arithmetic3A_84, %and3A_87], %add3A_90 : memref<18x128xi32, #tpu.memory_space<vmem>>[vector<16xi32>, vector<16xi32>], vector<16xi32>,
      %add3A_91 = arith.constant 48 : i32
      %add3A_92 = arith.addi %scan3A_43, %add3A_91 : i32
      %add3A_93 = vector.broadcast %add3A_92 : i32 to vector<16xi32>
      %add3A_94 = arith.addi %add3A_93, %iota3A : vector<16xi32>
      %add3A_95 = arith.constant 48 : i32
      %add3A_96 = vector.broadcast %add3A_95 : i32 to vector<16xi32>
      %add3A_97 = arith.addi %add3A_96, %iota3A : vector<16xi32>
      tpu.vector_store_idx %arg10[%add3A_94], %add3A_97 : memref<2256xi32, #tpu.memory_space<vmem>>[vector<16xi32>], vector<16xi32>,
      %shift_right_arithmetic3A_98 = arith.constant 7 : i32
      %shift_right_arithmetic3A_99 = vector.broadcast %shift_right_arithmetic3A_98 : i32 to vector<16xi32>
      %shift_right_arithmetic3A_100 = arith.shrsi %add3A_94, %shift_right_arithmetic3A_99 : vector<16xi32>
      %and3A_101 = arith.constant 127 : i32
      %and3A_102 = vector.broadcast %and3A_101 : i32 to vector<16xi32>
      %and3A_103 = arith.andi %add3A_94, %and3A_102 : vector<16xi32>
      %add3A_104 = arith.constant 100400 : i32
      %add3A_105 = vector.broadcast %add3A_104 : i32 to vector<16xi32>
      %add3A_106 = arith.addi %add3A_105, %iota3A : vector<16xi32>
      tpu.vector_store_idx %arg11[%shift_right_arithmetic3A_100, %and3A_103], %add3A_106 : memref<18x128xi32, #tpu.memory_space<vmem>>[vector<16xi32>, vector<16xi32>], vector<16xi32>,
      %add3A_107 = arith.constant 64 : i32
      %add3A_108 = arith.addi %scan3A_43, %add3A_107 : i32
      %add3A_109 = vector.broadcast %add3A_108 : i32 to vector<16xi32>
      %add3A_110 = arith.addi %add3A_109, %iota3A : vector<16xi32>
      %add3A_111 = arith.constant 64 : i32
      %add3A_112 = vector.broadcast %add3A_111 : i32 to vector<16xi32>
      %add3A_113 = arith.addi %add3A_112, %iota3A : vector<16xi32>
      tpu.vector_store_idx %arg10[%add3A_110], %add3A_113 : memref<2256xi32, #tpu.memory_space<vmem>>[vector<16xi32>], vector<16xi32>,
      %shift_right_arithmetic3A_114 = arith.constant 7 : i32
      %shift_right_arithmetic3A_115 = vector.broadcast %shift_right_arithmetic3A_114 : i32 to vector<16xi32>
      %shift_right_arithmetic3A_116 = arith.shrsi %add3A_110, %shift_right_arithmetic3A_115 : vector<16xi32>
      %and3A_117 = arith.constant 127 : i32
      %and3A_118 = vector.broadcast %and3A_117 : i32 to vector<16xi32>
      %and3A_119 = arith.andi %add3A_110, %and3A_118 : vector<16xi32>
      %add3A_120 = arith.constant 100416 : i32
      %add3A_121 = vector.broadcast %add3A_120 : i32 to vector<16xi32>
      %add3A_122 = arith.addi %add3A_121, %iota3A : vector<16xi32>
      tpu.vector_store_idx %arg11[%shift_right_arithmetic3A_116, %and3A_119], %add3A_122 : memref<18x128xi32, #tpu.memory_space<vmem>>[vector<16xi32>, vector<16xi32>], vector<16xi32>,
      %add3A_123 = arith.constant 80 : i32
      %add3A_124 = arith.addi %scan3A_43, %add3A_123 : i32
      %add3A_125 = vector.broadcast %add3A_124 : i32 to vector<16xi32>
      %add3A_126 = arith.addi %add3A_125, %iota3A : vector<16xi32>
      %add3A_127 = arith.constant 80 : i32
      %add3A_128 = vector.broadcast %add3A_127 : i32 to vector<16xi32>
      %add3A_129 = arith.addi %add3A_128, %iota3A : vector<16xi32>
      tpu.vector_store_idx %arg10[%add3A_126], %add3A_129 : memref<2256xi32, #tpu.memory_space<vmem>>[vector<16xi32>], vector<16xi32>,
      %shift_right_arithmetic3A_130 = arith.constant 7 : i32
      %shift_right_arithmetic3A_131 = vector.broadcast %shift_right_arithmetic3A_130 : i32 to vector<16xi32>
      %shift_right_arithmetic3A_132 = arith.shrsi %add3A_126, %shift_right_arithmetic3A_131 : vector<16xi32>
      %and3A_133 = arith.constant 127 : i32
      %and3A_134 = vector.broadcast %and3A_133 : i32 to vector<16xi32>
      %and3A_135 = arith.andi %add3A_126, %and3A_134 : vector<16xi32>
      %add3A_136 = arith.constant 100432 : i32
      %add3A_137 = vector.broadcast %add3A_136 : i32 to vector<16xi32>
      %add3A_138 = arith.addi %add3A_137, %iota3A : vector<16xi32>
      tpu.vector_store_idx %arg11[%shift_right_arithmetic3A_132, %and3A_135], %add3A_138 : memref<18x128xi32, #tpu.memory_space<vmem>>[vector<16xi32>, vector<16xi32>], vector<16xi32>,
      %add3A_139 = arith.constant 96 : i32
      %add3A_140 = arith.addi %scan3A_43, %add3A_139 : i32
      %add3A_141 = vector.broadcast %add3A_140 : i32 to vector<16xi32>
      %add3A_142 = arith.addi %add3A_141, %iota3A : vector<16xi32>
      %add3A_143 = arith.constant 96 : i32
      %add3A_144 = vector.broadcast %add3A_143 : i32 to vector<16xi32>
      %add3A_145 = arith.addi %add3A_144, %iota3A : vector<16xi32>
      tpu.vector_store_idx %arg10[%add3A_142], %add3A_145 : memref<2256xi32, #tpu.memory_space<vmem>>[vector<16xi32>], vector<16xi32>,
      %shift_right_arithmetic3A_146 = arith.constant 7 : i32
      %shift_right_arithmetic3A_147 = vector.broadcast %shift_right_arithmetic3A_146 : i32 to vector<16xi32>
      %shift_right_arithmetic3A_148 = arith.shrsi %add3A_142, %shift_right_arithmetic3A_147 : vector<16xi32>
      %and3A_149 = arith.constant 127 : i32
      %and3A_150 = vector.broadcast %and3A_149 : i32 to vector<16xi32>
      %and3A_151 = arith.andi %add3A_142, %and3A_150 : vector<16xi32>
      %add3A_152 = arith.constant 100448 : i32
      %add3A_153 = vector.broadcast %add3A_152 : i32 to vector<16xi32>
      %add3A_154 = arith.addi %add3A_153, %iota3A : vector<16xi32>
      tpu.vector_store_idx %arg11[%shift_right_arithmetic3A_148, %and3A_151], %add3A_154 : memref<18x128xi32, #tpu.memory_space<vmem>>[vector<16xi32>, vector<16xi32>], vector<16xi32>,
      %add3A_155 = arith.constant 112 : i32
      %add3A_156 = arith.addi %scan3A_43, %add3A_155 : i32
      %add3A_157 = vector.broadcast %add3A_156 : i32 to vector<16xi32>
      %add3A_158 = arith.addi %add3A_157, %iota3A : vector<16xi32>
      %add3A_159 = arith.constant 112 : i32
      %add3A_160 = vector.broadcast %add3A_159 : i32 to vector<16xi32>
      %add3A_161 = arith.addi %add3A_160, %iota3A : vector<16xi32>
      tpu.vector_store_idx %arg10[%add3A_158], %add3A_161 : memref<2256xi32, #tpu.memory_space<vmem>>[vector<16xi32>], vector<16xi32>,
      %shift_right_arithmetic3A_162 = arith.constant 7 : i32
      %shift_right_arithmetic3A_163 = vector.broadcast %shift_right_arithmetic3A_162 : i32 to vector<16xi32>
      %shift_right_arithmetic3A_164 = arith.shrsi %add3A_158, %shift_right_arithmetic3A_163 : vector<16xi32>
      %and3A_165 = arith.constant 127 : i32
      %and3A_166 = vector.broadcast %and3A_165 : i32 to vector<16xi32>
      %and3A_167 = arith.andi %add3A_158, %and3A_166 : vector<16xi32>
      %add3A_168 = arith.constant 100464 : i32
      %add3A_169 = vector.broadcast %add3A_168 : i32 to vector<16xi32>
      %add3A_170 = arith.addi %add3A_169, %iota3A : vector<16xi32>
      tpu.vector_store_idx %arg11[%shift_right_arithmetic3A_164, %and3A_167], %add3A_170 : memref<18x128xi32, #tpu.memory_space<vmem>>[vector<16xi32>, vector<16xi32>], vector<16xi32>,
      %add3A_171 = arith.constant 127 : i32
      %add3A_172 = arith.addi %scan3A_43, %add3A_171 : i32
      %jit3A = arith.constant 128 : i32
      %div3A = arith.divsi %add3A_172, %jit3A : i32
      %sign3A = arith.constant 0 : i32
      %sign3A_173 = arith.cmpi sgt, %add3A_172, %sign3A : i32
      %sign3A_174 = arith.extui %sign3A_173 : i1 to i32
      %sign3A_175 = arith.constant 0 : i32
      %sign3A_176 = arith.cmpi slt, %add3A_172, %sign3A_175 : i32
      %sign3A_177 = arith.extui %sign3A_176 : i1 to i32
      %sign3A_178 = arith.subi %sign3A_174, %sign3A_177 : i32
      %sign3A_179 = arith.constant 0 : i32
      %sign3A_180 = arith.cmpi sgt, %jit3A, %sign3A_179 : i32
      %sign3A_181 = arith.extui %sign3A_180 : i1 to i32
      %sign3A_182 = arith.constant 0 : i32
      %sign3A_183 = arith.cmpi slt, %jit3A, %sign3A_182 : i32
      %sign3A_184 = arith.extui %sign3A_183 : i1 to i32
      %sign3A_185 = arith.subi %sign3A_181, %sign3A_184 : i32
      %ne3A = arith.cmpi ne, %sign3A_178, %sign3A_185 : i32
      %rem3A = arith.remsi %add3A_172, %jit3A : i32
      %ne3A_186 = arith.constant 0 : i32
      %ne3A_187 = arith.cmpi ne, %rem3A, %ne3A_186 : i32
      %and3A_188 = arith.andi %ne3A, %ne3A_187 : i1
      %sub3A = arith.constant 1 : i32
      %sub3A_189 = arith.subi %div3A, %sub3A : i32
      %select_n3A = arith.select %and3A_188, %sub3A_189, %div3A : i32
      %while3A = arith.constant 0 : i32
      %while3A_190 = arith.constant 0 : i32
      %while3A_191 = arith.subi %select_n3A, %while3A_190 : i32
      %while3A_192 = arith.addi %while3A_190, %while3A_191 : i32
      %while3A_193 = arith.constant 1 : i32
      %while3A_194 = arith.divsi %while3A_191, %while3A_193 : i32
      %while3A_195 = arith.muli %while3A_194, %while3A_193 : i32
      %while3A_196 = arith.addi %while3A_190, %while3A_195 : i32
      %while3A_197 = arith.constant 1 : i32
      scf.for %while3A_199 = %while3A_190 to %while3A_196 step %while3A_197  : i32 {
        %mul3A_200 = arith.constant 128 : i32
        %mul3A_201 = arith.muli %while3A_199, %mul3A_200 : i32
        %dma_start3A = tpu.memref_slice %arg10[%mul3A_201] : memref<2256xi32, #tpu.memory_space<vmem>> -> memref<128xi32, #tpu.memory_space<vmem>>
        %dma_start3A_202 = arith.constant 0 : i32
        %dma_start3A_203 = arith.constant 0 : i32
        %dma_start3A_204 = tpu.memref_slice %arg5[%dma_start3A_202, %dma_start3A_203] : memref<50000x16xf32, #tpu.memory_space<hbm>> -> memref<50000x16xf32, #tpu.memory_space<hbm>>
        tpu.enqueue_indirect_dma source(%dma_start3A_204 : memref<50000x16xf32, #tpu.memory_space<hbm>>) target(%arg12 : memref<128x16xf32, #tpu.memory_space<vmem>>) offsets(%dma_start3A : memref<128xi32, #tpu.memory_space<vmem>>) semaphore(%arg15 : memref<!tpu.dma_semaphore, #tpu.memory_space<semaphore_mem>>)
        %dma_wait3A = tpu.memref_slice %arg10[%mul3A_201] : memref<2256xi32, #tpu.memory_space<vmem>> -> memref<128xi32, #tpu.memory_space<vmem>>
        %dma_wait3A_205 = arith.constant 0 : i32
        %dma_wait3A_206 = arith.constant 0 : i32
        %dma_wait3A_207 = tpu.memref_slice %arg5[%dma_wait3A_205, %dma_wait3A_206] : memref<50000x16xf32, #tpu.memory_space<hbm>> -> memref<50000x16xf32, #tpu.memory_space<hbm>>
        tpu.wait_indirect_dma semaphore(%arg15 : memref<!tpu.dma_semaphore, #tpu.memory_space<semaphore_mem>>) src(%dma_wait3A_207 : memref<50000x16xf32, #tpu.memory_space<hbm>>) dst(%arg12 : memref<128x16xf32, #tpu.memory_space<vmem>>)
        "tpu.region"() ({
          %run_scoped3A = tpu.sem_alloc : memref<!tpu.dma_semaphore, #tpu.memory_space<semaphore_mem>>
          %dma_start3A_208 = arith.constant 0 : i32
          %dma_start3A_209 = tpu.memref_slice %arg11[%while3A_199, %dma_start3A_208] : memref<18x128xi32, #tpu.memory_space<vmem>> -> memref<1x128xi32, #tpu.memory_space<vmem>>
          %dma_start3A_210 = tpu.memref_squeeze %dma_start3A_209 : memref<1x128xi32, #tpu.memory_space<vmem>> -> memref<128xi32, #tpu.memory_space<vmem>>
          %dma_start3A_211 = arith.constant 0 : i32
          %dma_start3A_212 = arith.constant 0 : i32
          %dma_start3A_213 = tpu.memref_slice %arg14[%dma_start3A_211, %dma_start3A_212] : memref<100480x16xf32, #tpu.memory_space<vmem_shared>> -> memref<100480x16xf32, #tpu.memory_space<vmem_shared>>
          tpu.enqueue_indirect_dma source(%arg12 : memref<128x16xf32, #tpu.memory_space<vmem>>) target(%dma_start3A_213 : memref<100480x16xf32, #tpu.memory_space<vmem_shared>>) offsets(%dma_start3A_210 : memref<128xi32, #tpu.memory_space<vmem>>) semaphore(%run_scoped3A : memref<!tpu.dma_semaphore, #tpu.memory_space<semaphore_mem>>) {add = true}
          %dma_wait3A_214 = arith.constant 0 : i32
          %dma_wait3A_215 = tpu.memref_slice %arg11[%while3A_199, %dma_wait3A_214] : memref<18x128xi32, #tpu.memory_space<vmem>> -> memref<1x128xi32, #tpu.memory_space<vmem>>
          %dma_wait3A_216 = tpu.memref_squeeze %dma_wait3A_215 : memref<1x128xi32, #tpu.memory_space<vmem>> -> memref<128xi32, #tpu.memory_space<vmem>>
          %dma_wait3A_217 = arith.constant 0 : i32
          %dma_wait3A_218 = arith.constant 0 : i32
          %dma_wait3A_219 = tpu.memref_slice %arg14[%dma_wait3A_217, %dma_wait3A_218] : memref<100480x16xf32, #tpu.memory_space<vmem_shared>> -> memref<100480x16xf32, #tpu.memory_space<vmem_shared>>
          tpu.wait_indirect_dma semaphore(%run_scoped3A : memref<!tpu.dma_semaphore, #tpu.memory_space<semaphore_mem>>) src(%arg12 : memref<128x16xf32, #tpu.memory_space<vmem>>) dst(%dma_wait3A_219 : memref<100480x16xf32, #tpu.memory_space<vmem_shared>>)
          tpu.yield
        }) : () -> ()
      }
      %while3A_198 = arith.constant 1 : i32
      scf.for %while3A_199 = %while3A_196 to %while3A_192 step %while3A_198  : i32 {
        %mul3A_200 = arith.constant 128 : i32
        %mul3A_201 = arith.muli %while3A_199, %mul3A_200 : i32
        %dma_start3A = tpu.memref_slice %arg10[%mul3A_201] : memref<2256xi32, #tpu.memory_space<vmem>> -> memref<128xi32, #tpu.memory_space<vmem>>
        %dma_start3A_202 = arith.constant 0 : i32
        %dma_start3A_203 = arith.constant 0 : i32
        %dma_start3A_204 = tpu.memref_slice %arg5[%dma_start3A_202, %dma_start3A_203] : memref<50000x16xf32, #tpu.memory_space<hbm>> -> memref<50000x16xf32, #tpu.memory_space<hbm>>
        tpu.enqueue_indirect_dma source(%dma_start3A_204 : memref<50000x16xf32, #tpu.memory_space<hbm>>) target(%arg12 : memref<128x16xf32, #tpu.memory_space<vmem>>) offsets(%dma_start3A : memref<128xi32, #tpu.memory_space<vmem>>) semaphore(%arg15 : memref<!tpu.dma_semaphore, #tpu.memory_space<semaphore_mem>>)
        %dma_wait3A = tpu.memref_slice %arg10[%mul3A_201] : memref<2256xi32, #tpu.memory_space<vmem>> -> memref<128xi32, #tpu.memory_space<vmem>>
        %dma_wait3A_205 = arith.constant 0 : i32
        %dma_wait3A_206 = arith.constant 0 : i32
        %dma_wait3A_207 = tpu.memref_slice %arg5[%dma_wait3A_205, %dma_wait3A_206] : memref<50000x16xf32, #tpu.memory_space<hbm>> -> memref<50000x16xf32, #tpu.memory_space<hbm>>
        tpu.wait_indirect_dma semaphore(%arg15 : memref<!tpu.dma_semaphore, #tpu.memory_space<semaphore_mem>>) src(%dma_wait3A_207 : memref<50000x16xf32, #tpu.memory_space<hbm>>) dst(%arg12 : memref<128x16xf32, #tpu.memory_space<vmem>>)
        "tpu.region"() ({
          %run_scoped3A = tpu.sem_alloc : memref<!tpu.dma_semaphore, #tpu.memory_space<semaphore_mem>>
          %dma_start3A_208 = arith.constant 0 : i32
          %dma_start3A_209 = tpu.memref_slice %arg11[%while3A_199, %dma_start3A_208] : memref<18x128xi32, #tpu.memory_space<vmem>> -> memref<1x128xi32, #tpu.memory_space<vmem>>
          %dma_start3A_210 = tpu.memref_squeeze %dma_start3A_209 : memref<1x128xi32, #tpu.memory_space<vmem>> -> memref<128xi32, #tpu.memory_space<vmem>>
          %dma_start3A_211 = arith.constant 0 : i32
          %dma_start3A_212 = arith.constant 0 : i32
          %dma_start3A_213 = tpu.memref_slice %arg14[%dma_start3A_211, %dma_start3A_212] : memref<100480x16xf32, #tpu.memory_space<vmem_shared>> -> memref<100480x16xf32, #tpu.memory_space<vmem_shared>>
          tpu.enqueue_indirect_dma source(%arg12 : memref<128x16xf32, #tpu.memory_space<vmem>>) target(%dma_start3A_213 : memref<100480x16xf32, #tpu.memory_space<vmem_shared>>) offsets(%dma_start3A_210 : memref<128xi32, #tpu.memory_space<vmem>>) semaphore(%run_scoped3A : memref<!tpu.dma_semaphore, #tpu.memory_space<semaphore_mem>>) {add = true}
          %dma_wait3A_214 = arith.constant 0 : i32
          %dma_wait3A_215 = tpu.memref_slice %arg11[%while3A_199, %dma_wait3A_214] : memref<18x128xi32, #tpu.memory_space<vmem>> -> memref<1x128xi32, #tpu.memory_space<vmem>>
          %dma_wait3A_216 = tpu.memref_squeeze %dma_wait3A_215 : memref<1x128xi32, #tpu.memory_space<vmem>> -> memref<128xi32, #tpu.memory_space<vmem>>
          %dma_wait3A_217 = arith.constant 0 : i32
          %dma_wait3A_218 = arith.constant 0 : i32
          %dma_wait3A_219 = tpu.memref_slice %arg14[%dma_wait3A_217, %dma_wait3A_218] : memref<100480x16xf32, #tpu.memory_space<vmem_shared>> -> memref<100480x16xf32, #tpu.memory_space<vmem_shared>>
          tpu.wait_indirect_dma semaphore(%run_scoped3A : memref<!tpu.dma_semaphore, #tpu.memory_space<semaphore_mem>>) src(%arg12 : memref<128x16xf32, #tpu.memory_space<vmem>>) dst(%dma_wait3A_219 : memref<100480x16xf32, #tpu.memory_space<vmem_shared>>)
          tpu.yield
        }) : () -> ()
      }
    }
    %scan3A_22 = arith.constant 25 : i32
    %barrier3A_23 = arith.constant 0 : index
    tpu.barrier barrier_id(%barrier3A_23)
    %scan3A_24 = arith.constant 0 : i32
    %scan3A_25 = arith.constant 0 : i32
    %scan3A_26 = arith.constant 49 : i32
    %scan3A_27 = arith.addi %scan3A_25, %scan3A_26 : i32
    %scan3A_28 = arith.constant 1 : i32
    scf.for %scan3A_32 = %scan3A_25 to %scan3A_27 step %scan3A_28  : i32 {
      %mul3A_33 = arith.constant 6272 : i32
      %mul3A_34 = arith.muli %arg1, %mul3A_33 : i32
      %mul3A_35 = arith.constant 128 : i32
      %mul3A_36 = arith.muli %scan3A_32, %mul3A_35 : i32
      %add3A_37 = arith.addi %mul3A_34, %mul3A_36 : i32
      %mul3A_38 = arith.constant 1 : i32
      %mul3A_39 = arith.muli %arg0, %mul3A_38 : i32
      %add3A_40 = arith.addi %mul3A_39, %scan3A_7 : i32
      %mul3A_41 = arith.constant 25088 : i32
      %mul3A_42 = arith.muli %add3A_40, %mul3A_41 : i32
      %mul3A_43 = arith.constant 4 : i32
      %mul3A_44 = arith.muli %mul3A_42, %mul3A_43 : i32
      %add3A_45 = arith.addi %mul3A_44, %add3A_37 : i32
      "tpu.region"() ({
        %run_scoped3A = tpu.sem_alloc : memref<!tpu.dma_semaphore, #tpu.memory_space<semaphore_mem>>
        %dma_start3A = arith.constant 0 : i32
        %dma_start3A_46 = arith.constant 0 : i32
        %dma_start3A_47 = tpu.memref_slice %arg12[%dma_start3A, %dma_start3A_46] : memref<128x16xf32, #tpu.memory_space<vmem>> -> memref<128x16xf32, #tpu.memory_space<vmem>>
        %dma_start3A_48 = arith.constant 0 : i32
        %dma_start3A_49 = tpu.memref_slice %arg14[%add3A_37, %dma_start3A_48] : memref<100480x16xf32, #tpu.memory_space<vmem_shared>> -> memref<128x16xf32, #tpu.memory_space<vmem_shared>>
        %dma_start3A_50 = arith.constant 0 : i32
        %dma_start3A_51 = arith.constant 0 : i32
        %dma_start3A_52 = tpu.memref_slice %arg12[%dma_start3A_50, %dma_start3A_51] : memref<128x16xf32, #tpu.memory_space<vmem>> -> memref<128x16xf32, #tpu.memory_space<vmem>>
        %dma_start3A_53 = arith.constant 0 : i32
        %dma_start3A_54 = tpu.memref_slice %arg14[%add3A_37, %dma_start3A_53] : memref<100480x16xf32, #tpu.memory_space<vmem_shared>> -> memref<128x16xf32, #tpu.memory_space<vmem_shared>>
        tpu.enqueue_dma source(%dma_start3A_54 : memref<128x16xf32, #tpu.memory_space<vmem_shared>>) target(%dma_start3A_52 : memref<128x16xf32, #tpu.memory_space<vmem>>) target_semaphore(%run_scoped3A : memref<!tpu.dma_semaphore, #tpu.memory_space<semaphore_mem>>)
        %dma_wait3A = arith.constant 0 : i32
        %dma_wait3A_55 = arith.constant 0 : i32
        %dma_wait3A_56 = tpu.memref_slice %arg12[%dma_wait3A, %dma_wait3A_55] : memref<128x16xf32, #tpu.memory_space<vmem>> -> memref<128x16xf32, #tpu.memory_space<vmem>>
        %dma_wait3A_57 = arith.constant 0 : i32
        %dma_wait3A_58 = tpu.memref_slice %arg14[%add3A_37, %dma_wait3A_57] : memref<100480x16xf32, #tpu.memory_space<vmem_shared>> -> memref<128x16xf32, #tpu.memory_space<vmem_shared>>
        %dma_wait3A_59 = arith.constant 0 : i32
        %dma_wait3A_60 = arith.constant 0 : i32
        %dma_wait3A_61 = tpu.memref_slice %arg12[%dma_wait3A_59, %dma_wait3A_60] : memref<128x16xf32, #tpu.memory_space<vmem>> -> memref<128x16xf32, #tpu.memory_space<vmem>>
        %dma_wait3A_62 = arith.constant 0 : i32
        %dma_wait3A_63 = tpu.memref_slice %arg14[%add3A_37, %dma_wait3A_62] : memref<100480x16xf32, #tpu.memory_space<vmem_shared>> -> memref<128x16xf32, #tpu.memory_space<vmem_shared>>
        tpu.wait_dma2 semaphore(%run_scoped3A : memref<!tpu.dma_semaphore, #tpu.memory_space<semaphore_mem>>) src(%dma_wait3A_63 : memref<128x16xf32, #tpu.memory_space<vmem_shared>>) dst(%dma_wait3A_61 : memref<128x16xf32, #tpu.memory_space<vmem>>)
        tpu.yield
      }) : () -> ()
      "tpu.region"() ({
        %run_scoped3A = tpu.sem_alloc : memref<!tpu.dma_semaphore, #tpu.memory_space<semaphore_mem>>
        %dma_start3A = arith.constant 0 : i32
        %dma_start3A_46 = arith.constant 0 : i32
        %dma_start3A_47 = tpu.memref_slice %arg12[%dma_start3A, %dma_start3A_46] : memref<128x16xf32, #tpu.memory_space<vmem>> -> memref<128x16xf32, #tpu.memory_space<vmem>>
        %dma_start3A_48 = arith.constant 0 : i32
        %dma_start3A_49 = tpu.memref_slice %arg6[%add3A_45, %dma_start3A_48] : memref<200704x16xf32, #tpu.memory_space<hbm>> -> memref<128x16xf32, #tpu.memory_space<hbm>>
        %dma_start3A_50 = arith.constant 0 : i32
        %dma_start3A_51 = tpu.memref_slice %arg6[%add3A_45, %dma_start3A_50] : memref<200704x16xf32, #tpu.memory_space<hbm>> -> memref<128x16xf32, #tpu.memory_space<hbm>>
        %dma_start3A_52 = arith.constant 0 : i32
        %dma_start3A_53 = arith.constant 0 : i32
        %dma_start3A_54 = tpu.memref_slice %arg12[%dma_start3A_52, %dma_start3A_53] : memref<128x16xf32, #tpu.memory_space<vmem>> -> memref<128x16xf32, #tpu.memory_space<vmem>>
        tpu.enqueue_dma source(%dma_start3A_54 : memref<128x16xf32, #tpu.memory_space<vmem>>) target(%dma_start3A_51 : memref<128x16xf32, #tpu.memory_space<hbm>>) target_semaphore(%run_scoped3A : memref<!tpu.dma_semaphore, #tpu.memory_space<semaphore_mem>>)
        %dma_wait3A = arith.constant 0 : i32
        %dma_wait3A_55 = arith.constant 0 : i32
        %dma_wait3A_56 = tpu.memref_slice %arg12[%dma_wait3A, %dma_wait3A_55] : memref<128x16xf32, #tpu.memory_space<vmem>> -> memref<128x16xf32, #tpu.memory_space<vmem>>
        %dma_wait3A_57 = arith.constant 0 : i32
        %dma_wait3A_58 = tpu.memref_slice %arg6[%add3A_45, %dma_wait3A_57] : memref<200704x16xf32, #tpu.memory_space<hbm>> -> memref<128x16xf32, #tpu.memory_space<hbm>>
        %dma_wait3A_59 = arith.constant 0 : i32
        %dma_wait3A_60 = tpu.memref_slice %arg6[%add3A_45, %dma_wait3A_59] : memref<200704x16xf32, #tpu.memory_space<hbm>> -> memref<128x16xf32, #tpu.memory_space<hbm>>
        %dma_wait3A_61 = arith.constant 0 : i32
        %dma_wait3A_62 = arith.constant 0 : i32
        %dma_wait3A_63 = tpu.memref_slice %arg12[%dma_wait3A_61, %dma_wait3A_62] : memref<128x16xf32, #tpu.memory_space<vmem>> -> memref<128x16xf32, #tpu.memory_space<vmem>>
        tpu.wait_dma2 semaphore(%run_scoped3A : memref<!tpu.dma_semaphore, #tpu.memory_space<semaphore_mem>>) src(%dma_wait3A_63 : memref<128x16xf32, #tpu.memory_space<vmem>>) dst(%dma_wait3A_60 : memref<128x16xf32, #tpu.memory_space<hbm>>)
        tpu.yield
      }) : () -> ()
    }
    %scan3A_29 = arith.constant 49 : i32
    %barrier3A_30 = arith.constant 0 : index
    tpu.barrier barrier_id(%barrier3A_30)
    %scan3A_31 = arith.constant 1 : i32
    return
  }
}

#map = affine_map<(d0, d1) -> (0)>
#map1 = affine_map<(d0, d1) -> (0, 0)>
module attributes {stable_mosaic.version = 14 : i64} {
  func.func @agg(%arg0: i32, %arg1: i32, %arg2: memref<800000xi32, #tpu.memory_space<hbm>>, %arg3: memref<800000xi32, #tpu.memory_space<hbm>>, %arg4: memref<800000xi32, #tpu.memory_space<hbm>>, %arg5: memref<50000x128xf32, #tpu.memory_space<hbm>>, %arg6: memref<204800x128xf32, #tpu.memory_space<hbm>>, %arg7: memref<2000xi32, #tpu.memory_space<vmem>>, %arg8: memref<2000xi32, #tpu.memory_space<vmem>>, %arg9: memref<2000xi32, #tpu.memory_space<vmem>>, %arg10: memref<2256xi32, #tpu.memory_space<vmem>>, %arg11: memref<18x128xi32, #tpu.memory_space<vmem>>, %arg12: memref<128x128xf32, #tpu.memory_space<vmem>>, %arg13: memref<128x128xf32, #tpu.memory_space<vmem>>, %arg14: memref<10368x128xf32, #tpu.memory_space<vmem_shared>>, %arg15: memref<!tpu.dma_semaphore, #tpu.memory_space<semaphore_mem>>) attributes {dimension_semantics = [#tpu.dimension_semantics<core_parallel>, #tpu.dimension_semantics<subcore_parallel>], iteration_bounds = array<i64: 2, 16>, scalar_prefetch = 0 : i64, scratch_operands = 9 : i64, tpu.core_type = #tpu.core_type<sc_vector_subcore>, window_params = [{transform_indices = #map}, {transform_indices = #map}, {transform_indices = #map}, {transform_indices = #map1}, {transform_indices = #map1}]} {
    %iota3A = tpu.iota {dimensions = array<i32: 0>} : vector<16xi32>
    %broadcast_in_dim3A = arith.constant 0.000000e+00 : f32
    %broadcast_in_dim3A_0 = vector.broadcast %broadcast_in_dim3A : f32 to vector<16xf32>
    %scan3A = arith.constant 0 : i32
    %scan3A_1 = arith.constant 0 : i32
    %scan3A_2 = arith.constant 128 : i32
    %scan3A_3 = arith.addi %scan3A_1, %scan3A_2 : i32
    %scan3A_4 = arith.constant 1 : i32
    scf.for %scan3A_12 = %scan3A_1 to %scan3A_3 step %scan3A_4  : i32 {
      %swap3A = arith.index_cast %scan3A_12 : i32 to index
      %swap3A_13 = arith.constant 0 : index
      %swap3A_14 = tpu.vector_load %arg13[%swap3A, %swap3A_13] {strides = array<i32>} : memref<128x128xf32, #tpu.memory_space<vmem>>, vector<16xf32>,
      tpu.vector_store %arg13[%swap3A, %swap3A_13], %broadcast_in_dim3A_0 {strides = array<i32>} : memref<128x128xf32, #tpu.memory_space<vmem>>, vector<16xf32>,
      %swap3A_15 = arith.index_cast %scan3A_12 : i32 to index
      %swap3A_16 = arith.constant 16 : index
      %swap3A_17 = tpu.vector_load %arg13[%swap3A_15, %swap3A_16] {strides = array<i32>} : memref<128x128xf32, #tpu.memory_space<vmem>>, vector<16xf32>,
      tpu.vector_store %arg13[%swap3A_15, %swap3A_16], %broadcast_in_dim3A_0 {strides = array<i32>} : memref<128x128xf32, #tpu.memory_space<vmem>>, vector<16xf32>,
      %swap3A_18 = arith.index_cast %scan3A_12 : i32 to index
      %swap3A_19 = arith.constant 32 : index
      %swap3A_20 = tpu.vector_load %arg13[%swap3A_18, %swap3A_19] {strides = array<i32>} : memref<128x128xf32, #tpu.memory_space<vmem>>, vector<16xf32>,
      tpu.vector_store %arg13[%swap3A_18, %swap3A_19], %broadcast_in_dim3A_0 {strides = array<i32>} : memref<128x128xf32, #tpu.memory_space<vmem>>, vector<16xf32>,
      %swap3A_21 = arith.index_cast %scan3A_12 : i32 to index
      %swap3A_22 = arith.constant 48 : index
      %swap3A_23 = tpu.vector_load %arg13[%swap3A_21, %swap3A_22] {strides = array<i32>} : memref<128x128xf32, #tpu.memory_space<vmem>>, vector<16xf32>,
      tpu.vector_store %arg13[%swap3A_21, %swap3A_22], %broadcast_in_dim3A_0 {strides = array<i32>} : memref<128x128xf32, #tpu.memory_space<vmem>>, vector<16xf32>,
      %swap3A_24 = arith.index_cast %scan3A_12 : i32 to index
      %swap3A_25 = arith.constant 64 : index
      %swap3A_26 = tpu.vector_load %arg13[%swap3A_24, %swap3A_25] {strides = array<i32>} : memref<128x128xf32, #tpu.memory_space<vmem>>, vector<16xf32>,
      tpu.vector_store %arg13[%swap3A_24, %swap3A_25], %broadcast_in_dim3A_0 {strides = array<i32>} : memref<128x128xf32, #tpu.memory_space<vmem>>, vector<16xf32>,
      %swap3A_27 = arith.index_cast %scan3A_12 : i32 to index
      %swap3A_28 = arith.constant 80 : index
      %swap3A_29 = tpu.vector_load %arg13[%swap3A_27, %swap3A_28] {strides = array<i32>} : memref<128x128xf32, #tpu.memory_space<vmem>>, vector<16xf32>,
      tpu.vector_store %arg13[%swap3A_27, %swap3A_28], %broadcast_in_dim3A_0 {strides = array<i32>} : memref<128x128xf32, #tpu.memory_space<vmem>>, vector<16xf32>,
      %swap3A_30 = arith.index_cast %scan3A_12 : i32 to index
      %swap3A_31 = arith.constant 96 : index
      %swap3A_32 = tpu.vector_load %arg13[%swap3A_30, %swap3A_31] {strides = array<i32>} : memref<128x128xf32, #tpu.memory_space<vmem>>, vector<16xf32>,
      tpu.vector_store %arg13[%swap3A_30, %swap3A_31], %broadcast_in_dim3A_0 {strides = array<i32>} : memref<128x128xf32, #tpu.memory_space<vmem>>, vector<16xf32>,
      %swap3A_33 = arith.index_cast %scan3A_12 : i32 to index
      %swap3A_34 = arith.constant 112 : index
      %swap3A_35 = tpu.vector_load %arg13[%swap3A_33, %swap3A_34] {strides = array<i32>} : memref<128x128xf32, #tpu.memory_space<vmem>>, vector<16xf32>,
      tpu.vector_store %arg13[%swap3A_33, %swap3A_34], %broadcast_in_dim3A_0 {strides = array<i32>} : memref<128x128xf32, #tpu.memory_space<vmem>>, vector<16xf32>,
    }
    %scan3A_5 = arith.constant 128 : i32
    %scan3A_6 = arith.constant 0 : i32
    %scan3A_7 = arith.constant 0 : i32
    %scan3A_8 = arith.constant 10 : i32
    %scan3A_9 = arith.addi %scan3A_7, %scan3A_8 : i32
    %scan3A_10 = arith.constant 1 : i32
    scf.for %scan3A_12 = %scan3A_7 to %scan3A_9 step %scan3A_10  : i32 {
      %mul3A = arith.constant 10 : i32
      %mul3A_13 = arith.muli %arg0, %mul3A : i32
      %add3A = arith.addi %mul3A_13, %scan3A_12 : i32
      %mul3A_14 = arith.constant 2560 : i32
      %mul3A_15 = arith.muli %add3A, %mul3A_14 : i32
      %scan3A_16 = arith.constant 0 : i32
      %scan3A_17 = arith.constant 0 : i32
      %scan3A_18 = arith.constant 5 : i32
      %scan3A_19 = arith.addi %scan3A_17, %scan3A_18 : i32
      %scan3A_20 = arith.constant 1 : i32
      scf.for %scan3A_36 = %scan3A_17 to %scan3A_19 step %scan3A_20  : i32 {
        %mul3A_37 = arith.constant 640 : i32
        %mul3A_38 = arith.muli %arg1, %mul3A_37 : i32
        %mul3A_39 = arith.constant 128 : i32
        %mul3A_40 = arith.muli %scan3A_36, %mul3A_39 : i32
        %add3A_41 = arith.addi %mul3A_38, %mul3A_40 : i32
        "tpu.region"() ({
          %run_scoped3A = tpu.sem_alloc : memref<!tpu.dma_semaphore, #tpu.memory_space<semaphore_mem>>
          %dma_start3A = arith.constant 0 : i32
          %dma_start3A_42 = tpu.memref_slice %arg14[%add3A_41, %dma_start3A] : memref<10368x128xf32, #tpu.memory_space<vmem_shared>> -> memref<128x128xf32, #tpu.memory_space<vmem_shared>>
          %dma_start3A_43 = arith.constant 0 : i32
          %dma_start3A_44 = tpu.memref_slice %arg14[%add3A_41, %dma_start3A_43] : memref<10368x128xf32, #tpu.memory_space<vmem_shared>> -> memref<128x128xf32, #tpu.memory_space<vmem_shared>>
          tpu.enqueue_dma source(%arg13 : memref<128x128xf32, #tpu.memory_space<vmem>>) target(%dma_start3A_44 : memref<128x128xf32, #tpu.memory_space<vmem_shared>>) target_semaphore(%run_scoped3A : memref<!tpu.dma_semaphore, #tpu.memory_space<semaphore_mem>>)
          %dma_wait3A = arith.constant 0 : i32
          %dma_wait3A_45 = tpu.memref_slice %arg14[%add3A_41, %dma_wait3A] : memref<10368x128xf32, #tpu.memory_space<vmem_shared>> -> memref<128x128xf32, #tpu.memory_space<vmem_shared>>
          %dma_wait3A_46 = arith.constant 0 : i32
          %dma_wait3A_47 = tpu.memref_slice %arg14[%add3A_41, %dma_wait3A_46] : memref<10368x128xf32, #tpu.memory_space<vmem_shared>> -> memref<128x128xf32, #tpu.memory_space<vmem_shared>>
          tpu.wait_dma2 semaphore(%run_scoped3A : memref<!tpu.dma_semaphore, #tpu.memory_space<semaphore_mem>>) src(%arg13 : memref<128x128xf32, #tpu.memory_space<vmem>>) dst(%dma_wait3A_47 : memref<128x128xf32, #tpu.memory_space<vmem_shared>>)
          tpu.yield
        }) : () -> ()
      }
      %scan3A_21 = arith.constant 5 : i32
      %barrier3A = arith.constant 0 : index
      tpu.barrier barrier_id(%barrier3A)
      %scan3A_22 = arith.constant 0 : i32
      %scan3A_23 = arith.constant 0 : i32
      %scan3A_24 = arith.constant 25 : i32
      %scan3A_25 = arith.addi %scan3A_23, %scan3A_24 : i32
      %scan3A_26 = arith.constant 1 : i32
      scf.for %scan3A_36 = %scan3A_23 to %scan3A_25 step %scan3A_26  : i32 {
        %mul3A_37 = arith.constant 50000 : i32
        %mul3A_38 = arith.muli %arg1, %mul3A_37 : i32
        %mul3A_39 = arith.constant 2000 : i32
        %mul3A_40 = arith.muli %scan3A_36, %mul3A_39 : i32
        %add3A_41 = arith.addi %mul3A_38, %mul3A_40 : i32
        "tpu.region"() ({
          %run_scoped3A = tpu.sem_alloc : memref<!tpu.dma_semaphore, #tpu.memory_space<semaphore_mem>>
          %dma_start3A = arith.constant 0 : i32
          %dma_start3A_203 = tpu.memref_slice %arg7[%dma_start3A] : memref<2000xi32, #tpu.memory_space<vmem>> -> memref<2000xi32, #tpu.memory_space<vmem>>
          %dma_start3A_204 = tpu.memref_slice %arg2[%add3A_41] : memref<800000xi32, #tpu.memory_space<hbm>> -> memref<2000xi32, #tpu.memory_space<hbm>>
          %dma_start3A_205 = arith.constant 0 : i32
          %dma_start3A_206 = tpu.memref_slice %arg7[%dma_start3A_205] : memref<2000xi32, #tpu.memory_space<vmem>> -> memref<2000xi32, #tpu.memory_space<vmem>>
          %dma_start3A_207 = tpu.memref_slice %arg2[%add3A_41] : memref<800000xi32, #tpu.memory_space<hbm>> -> memref<2000xi32, #tpu.memory_space<hbm>>
          tpu.enqueue_dma source(%dma_start3A_207 : memref<2000xi32, #tpu.memory_space<hbm>>) target(%dma_start3A_206 : memref<2000xi32, #tpu.memory_space<vmem>>) target_semaphore(%run_scoped3A : memref<!tpu.dma_semaphore, #tpu.memory_space<semaphore_mem>>)
          %dma_wait3A = arith.constant 0 : i32
          %dma_wait3A_208 = tpu.memref_slice %arg7[%dma_wait3A] : memref<2000xi32, #tpu.memory_space<vmem>> -> memref<2000xi32, #tpu.memory_space<vmem>>
          %dma_wait3A_209 = tpu.memref_slice %arg2[%add3A_41] : memref<800000xi32, #tpu.memory_space<hbm>> -> memref<2000xi32, #tpu.memory_space<hbm>>
          %dma_wait3A_210 = arith.constant 0 : i32
          %dma_wait3A_211 = tpu.memref_slice %arg7[%dma_wait3A_210] : memref<2000xi32, #tpu.memory_space<vmem>> -> memref<2000xi32, #tpu.memory_space<vmem>>
          %dma_wait3A_212 = tpu.memref_slice %arg2[%add3A_41] : memref<800000xi32, #tpu.memory_space<hbm>> -> memref<2000xi32, #tpu.memory_space<hbm>>
          tpu.wait_dma2 semaphore(%run_scoped3A : memref<!tpu.dma_semaphore, #tpu.memory_space<semaphore_mem>>) src(%dma_wait3A_212 : memref<2000xi32, #tpu.memory_space<hbm>>) dst(%dma_wait3A_211 : memref<2000xi32, #tpu.memory_space<vmem>>)
          tpu.yield
        }) : () -> ()
        "tpu.region"() ({
          %run_scoped3A = tpu.sem_alloc : memref<!tpu.dma_semaphore, #tpu.memory_space<semaphore_mem>>
          %dma_start3A = arith.constant 0 : i32
          %dma_start3A_203 = tpu.memref_slice %arg8[%dma_start3A] : memref<2000xi32, #tpu.memory_space<vmem>> -> memref<2000xi32, #tpu.memory_space<vmem>>
          %dma_start3A_204 = tpu.memref_slice %arg3[%add3A_41] : memref<800000xi32, #tpu.memory_space<hbm>> -> memref<2000xi32, #tpu.memory_space<hbm>>
          %dma_start3A_205 = arith.constant 0 : i32
          %dma_start3A_206 = tpu.memref_slice %arg8[%dma_start3A_205] : memref<2000xi32, #tpu.memory_space<vmem>> -> memref<2000xi32, #tpu.memory_space<vmem>>
          %dma_start3A_207 = tpu.memref_slice %arg3[%add3A_41] : memref<800000xi32, #tpu.memory_space<hbm>> -> memref<2000xi32, #tpu.memory_space<hbm>>
          tpu.enqueue_dma source(%dma_start3A_207 : memref<2000xi32, #tpu.memory_space<hbm>>) target(%dma_start3A_206 : memref<2000xi32, #tpu.memory_space<vmem>>) target_semaphore(%run_scoped3A : memref<!tpu.dma_semaphore, #tpu.memory_space<semaphore_mem>>)
          %dma_wait3A = arith.constant 0 : i32
          %dma_wait3A_208 = tpu.memref_slice %arg8[%dma_wait3A] : memref<2000xi32, #tpu.memory_space<vmem>> -> memref<2000xi32, #tpu.memory_space<vmem>>
          %dma_wait3A_209 = tpu.memref_slice %arg3[%add3A_41] : memref<800000xi32, #tpu.memory_space<hbm>> -> memref<2000xi32, #tpu.memory_space<hbm>>
          %dma_wait3A_210 = arith.constant 0 : i32
          %dma_wait3A_211 = tpu.memref_slice %arg8[%dma_wait3A_210] : memref<2000xi32, #tpu.memory_space<vmem>> -> memref<2000xi32, #tpu.memory_space<vmem>>
          %dma_wait3A_212 = tpu.memref_slice %arg3[%add3A_41] : memref<800000xi32, #tpu.memory_space<hbm>> -> memref<2000xi32, #tpu.memory_space<hbm>>
          tpu.wait_dma2 semaphore(%run_scoped3A : memref<!tpu.dma_semaphore, #tpu.memory_space<semaphore_mem>>) src(%dma_wait3A_212 : memref<2000xi32, #tpu.memory_space<hbm>>) dst(%dma_wait3A_211 : memref<2000xi32, #tpu.memory_space<vmem>>)
          tpu.yield
        }) : () -> ()
        "tpu.region"() ({
          %run_scoped3A = tpu.sem_alloc : memref<!tpu.dma_semaphore, #tpu.memory_space<semaphore_mem>>
          %dma_start3A = arith.constant 0 : i32
          %dma_start3A_203 = tpu.memref_slice %arg9[%dma_start3A] : memref<2000xi32, #tpu.memory_space<vmem>> -> memref<2000xi32, #tpu.memory_space<vmem>>
          %dma_start3A_204 = tpu.memref_slice %arg4[%add3A_41] : memref<800000xi32, #tpu.memory_space<hbm>> -> memref<2000xi32, #tpu.memory_space<hbm>>
          %dma_start3A_205 = arith.constant 0 : i32
          %dma_start3A_206 = tpu.memref_slice %arg9[%dma_start3A_205] : memref<2000xi32, #tpu.memory_space<vmem>> -> memref<2000xi32, #tpu.memory_space<vmem>>
          %dma_start3A_207 = tpu.memref_slice %arg4[%add3A_41] : memref<800000xi32, #tpu.memory_space<hbm>> -> memref<2000xi32, #tpu.memory_space<hbm>>
          tpu.enqueue_dma source(%dma_start3A_207 : memref<2000xi32, #tpu.memory_space<hbm>>) target(%dma_start3A_206 : memref<2000xi32, #tpu.memory_space<vmem>>) target_semaphore(%run_scoped3A : memref<!tpu.dma_semaphore, #tpu.memory_space<semaphore_mem>>)
          %dma_wait3A = arith.constant 0 : i32
          %dma_wait3A_208 = tpu.memref_slice %arg9[%dma_wait3A] : memref<2000xi32, #tpu.memory_space<vmem>> -> memref<2000xi32, #tpu.memory_space<vmem>>
          %dma_wait3A_209 = tpu.memref_slice %arg4[%add3A_41] : memref<800000xi32, #tpu.memory_space<hbm>> -> memref<2000xi32, #tpu.memory_space<hbm>>
          %dma_wait3A_210 = arith.constant 0 : i32
          %dma_wait3A_211 = tpu.memref_slice %arg9[%dma_wait3A_210] : memref<2000xi32, #tpu.memory_space<vmem>> -> memref<2000xi32, #tpu.memory_space<vmem>>
          %dma_wait3A_212 = tpu.memref_slice %arg4[%add3A_41] : memref<800000xi32, #tpu.memory_space<hbm>> -> memref<2000xi32, #tpu.memory_space<hbm>>
          tpu.wait_dma2 semaphore(%run_scoped3A : memref<!tpu.dma_semaphore, #tpu.memory_space<semaphore_mem>>) src(%dma_wait3A_212 : memref<2000xi32, #tpu.memory_space<hbm>>) dst(%dma_wait3A_211 : memref<2000xi32, #tpu.memory_space<vmem>>)
          tpu.yield
        }) : () -> ()
        %scan3A_42 = arith.constant 0 : i32
        %scan3A_43 = arith.constant 0 : i32
        %scan3A_44 = arith.constant 125 : i32
        %scan3A_45 = arith.addi %scan3A_43, %scan3A_44 : i32
        %scan3A_46 = arith.constant 1 : i32
        %scan3A_47 = scf.for %scan3A_203 = %scan3A_43 to %scan3A_45 step %scan3A_46 iter_args(%scan3A_204 = %scan3A_42) -> (i32)  : i32 {
          %mul3A_205 = arith.constant 16 : i32
          %mul3A_206 = arith.muli %scan3A_203, %mul3A_205 : i32
          %get3A = arith.index_cast %mul3A_206 : i32 to index
          %get3A_207 = tpu.vector_load %arg8[%get3A] {strides = array<i32>} : memref<2000xi32, #tpu.memory_space<vmem>>, vector<16xi32>,
          %get3A_208 = arith.index_cast %mul3A_206 : i32 to index
          %get3A_209 = tpu.vector_load %arg7[%get3A_208] {strides = array<i32>} : memref<2000xi32, #tpu.memory_space<vmem>>, vector<16xi32>,
          %get3A_210 = arith.index_cast %mul3A_206 : i32 to index
          %get3A_211 = tpu.vector_load %arg9[%get3A_210] {strides = array<i32>} : memref<2000xi32, #tpu.memory_space<vmem>>, vector<16xi32>,
          %sub3A_212 = vector.broadcast %mul3A_15 : i32 to vector<16xi32>
          %sub3A_213 = arith.subi %get3A_207, %sub3A_212 : vector<16xi32>
          %ge3A = arith.constant 0 : i32
          %ge3A_214 = vector.broadcast %ge3A : i32 to vector<16xi32>
          %ge3A_215 = arith.cmpi sge, %sub3A_213, %ge3A_214 : vector<16xi32>
          %lt3A = arith.constant 2560 : i32
          %lt3A_216 = vector.broadcast %lt3A : i32 to vector<16xi32>
          %lt3A_217 = arith.cmpi slt, %sub3A_213, %lt3A_216 : vector<16xi32>
          %and3A_218 = arith.andi %ge3A_215, %lt3A_217 : vector<16xi1>
          %mul3A_219 = arith.constant 4 : i32
          %mul3A_220 = vector.broadcast %mul3A_219 : i32 to vector<16xi32>
          %mul3A_221 = arith.muli %sub3A_213, %mul3A_220 : vector<16xi32>
          %add3A_222 = arith.addi %mul3A_221, %get3A_211 : vector<16xi32>
          %broadcast_in_dim3A_223 = arith.constant 1 : i32
          %broadcast_in_dim3A_224 = vector.broadcast %broadcast_in_dim3A_223 : i32 to vector<16xi32>
          %masked_cumsum3A = tpu.scan <sum>, %broadcast_in_dim3A_224 masked %and3A_218 : vector<16xi32>, vector<16xi1> -> vector<16xi32>
          %add3A_225 = vector.broadcast %scan3A_204 : i32 to vector<16xi32>
          %add3A_226 = arith.addi %add3A_225, %masked_cumsum3A : vector<16xi32>
          %sub3A_227 = arith.constant 1 : i32
          %sub3A_228 = vector.broadcast %sub3A_227 : i32 to vector<16xi32>
          %sub3A_229 = arith.subi %add3A_226, %sub3A_228 : vector<16xi32>
          tpu.vector_store_idx %arg10[%sub3A_229], %get3A_209 masked %and3A_218 : memref<2256xi32, #tpu.memory_space<vmem>>[vector<16xi32>], vector<16xi32>, vector<16xi1>
          %shift_right_arithmetic3A_230 = arith.constant 7 : i32
          %shift_right_arithmetic3A_231 = vector.broadcast %shift_right_arithmetic3A_230 : i32 to vector<16xi32>
          %shift_right_arithmetic3A_232 = arith.shrsi %sub3A_229, %shift_right_arithmetic3A_231 : vector<16xi32>
          %and3A_233 = arith.constant 127 : i32
          %and3A_234 = vector.broadcast %and3A_233 : i32 to vector<16xi32>
          %and3A_235 = arith.andi %sub3A_229, %and3A_234 : vector<16xi32>
          tpu.vector_store_idx %arg11[%shift_right_arithmetic3A_232, %and3A_235], %add3A_222 masked %and3A_218 : memref<18x128xi32, #tpu.memory_space<vmem>>[vector<16xi32>, vector<16xi32>], vector<16xi32>, vector<16xi1>
          %all_reduce_population_count3A = tpu.all_reduce %and3A_218 {dim = 0 : i64, kind = #tpu.reduction_kind<sum>} : vector<16xi1> -> vector<16xi32>
          %reduce_max3A = arith.constant true
          %reduce_max3A_236 = vector.broadcast %reduce_max3A : i1 to vector<16xi1>
          %reduce_max3A_237 = arith.constant -2147483648 : i32
          %reduce_max3A_238 = vector.broadcast %reduce_max3A_237 : i32 to vector<16xi32>
          %reduce_max3A_239 = arith.xori %all_reduce_population_count3A, %reduce_max3A_238 : vector<16xi32>
          %reduce_max3A_240 = tpu.scan <max>, %reduce_max3A_239 masked %reduce_max3A_236 : vector<16xi32>, vector<16xi1> -> vector<16xi32>
          %reduce_max3A_241 = arith.xori %reduce_max3A_240, %reduce_max3A_238 : vector<16xi32>
          %reduce_max3A_242 = vector.extract %reduce_max3A_241[15] : i32 from vector<16xi32>
          %add3A_243 = arith.addi %scan3A_204, %reduce_max3A_242 : i32
          scf.yield %add3A_243 : i32
        }
        %scan3A_48 = arith.constant 125 : i32
        %add3A_49 = arith.constant 0 : i32
        %add3A_50 = arith.addi %scan3A_47, %add3A_49 : i32
        %add3A_51 = vector.broadcast %add3A_50 : i32 to vector<16xi32>
        %add3A_52 = arith.addi %add3A_51, %iota3A : vector<16xi32>
        %add3A_53 = arith.constant 0 : i32
        %add3A_54 = vector.broadcast %add3A_53 : i32 to vector<16xi32>
        %add3A_55 = arith.addi %add3A_54, %iota3A : vector<16xi32>
        tpu.vector_store_idx %arg10[%add3A_52], %add3A_55 : memref<2256xi32, #tpu.memory_space<vmem>>[vector<16xi32>], vector<16xi32>,
        %shift_right_arithmetic3A = arith.constant 7 : i32
        %shift_right_arithmetic3A_56 = vector.broadcast %shift_right_arithmetic3A : i32 to vector<16xi32>
        %shift_right_arithmetic3A_57 = arith.shrsi %add3A_52, %shift_right_arithmetic3A_56 : vector<16xi32>
        %and3A = arith.constant 127 : i32
        %and3A_58 = vector.broadcast %and3A : i32 to vector<16xi32>
        %and3A_59 = arith.andi %add3A_52, %and3A_58 : vector<16xi32>
        %add3A_60 = arith.constant 10240 : i32
        %add3A_61 = vector.broadcast %add3A_60 : i32 to vector<16xi32>
        %add3A_62 = arith.addi %add3A_61, %iota3A : vector<16xi32>
        tpu.vector_store_idx %arg11[%shift_right_arithmetic3A_57, %and3A_59], %add3A_62 : memref<18x128xi32, #tpu.memory_space<vmem>>[vector<16xi32>, vector<16xi32>], vector<16xi32>,
        %add3A_63 = arith.constant 16 : i32
        %add3A_64 = arith.addi %scan3A_47, %add3A_63 : i32
        %add3A_65 = vector.broadcast %add3A_64 : i32 to vector<16xi32>
        %add3A_66 = arith.addi %add3A_65, %iota3A : vector<16xi32>
        %add3A_67 = arith.constant 16 : i32
        %add3A_68 = vector.broadcast %add3A_67 : i32 to vector<16xi32>
        %add3A_69 = arith.addi %add3A_68, %iota3A : vector<16xi32>
        tpu.vector_store_idx %arg10[%add3A_66], %add3A_69 : memref<2256xi32, #tpu.memory_space<vmem>>[vector<16xi32>], vector<16xi32>,
        %shift_right_arithmetic3A_70 = arith.constant 7 : i32
        %shift_right_arithmetic3A_71 = vector.broadcast %shift_right_arithmetic3A_70 : i32 to vector<16xi32>
        %shift_right_arithmetic3A_72 = arith.shrsi %add3A_66, %shift_right_arithmetic3A_71 : vector<16xi32>
        %and3A_73 = arith.constant 127 : i32
        %and3A_74 = vector.broadcast %and3A_73 : i32 to vector<16xi32>
        %and3A_75 = arith.andi %add3A_66, %and3A_74 : vector<16xi32>
        %add3A_76 = arith.constant 10256 : i32
        %add3A_77 = vector.broadcast %add3A_76 : i32 to vector<16xi32>
        %add3A_78 = arith.addi %add3A_77, %iota3A : vector<16xi32>
        tpu.vector_store_idx %arg11[%shift_right_arithmetic3A_72, %and3A_75], %add3A_78 : memref<18x128xi32, #tpu.memory_space<vmem>>[vector<16xi32>, vector<16xi32>], vector<16xi32>,
        %add3A_79 = arith.constant 32 : i32
        %add3A_80 = arith.addi %scan3A_47, %add3A_79 : i32
        %add3A_81 = vector.broadcast %add3A_80 : i32 to vector<16xi32>
        %add3A_82 = arith.addi %add3A_81, %iota3A : vector<16xi32>
        %add3A_83 = arith.constant 32 : i32
        %add3A_84 = vector.broadcast %add3A_83 : i32 to vector<16xi32>
        %add3A_85 = arith.addi %add3A_84, %iota3A : vector<16xi32>
        tpu.vector_store_idx %arg10[%add3A_82], %add3A_85 : memref<2256xi32, #tpu.memory_space<vmem>>[vector<16xi32>], vector<16xi32>,
        %shift_right_arithmetic3A_86 = arith.constant 7 : i32
        %shift_right_arithmetic3A_87 = vector.broadcast %shift_right_arithmetic3A_86 : i32 to vector<16xi32>
        %shift_right_arithmetic3A_88 = arith.shrsi %add3A_82, %shift_right_arithmetic3A_87 : vector<16xi32>
        %and3A_89 = arith.constant 127 : i32
        %and3A_90 = vector.broadcast %and3A_89 : i32 to vector<16xi32>
        %and3A_91 = arith.andi %add3A_82, %and3A_90 : vector<16xi32>
        %add3A_92 = arith.constant 10272 : i32
        %add3A_93 = vector.broadcast %add3A_92 : i32 to vector<16xi32>
        %add3A_94 = arith.addi %add3A_93, %iota3A : vector<16xi32>
        tpu.vector_store_idx %arg11[%shift_right_arithmetic3A_88, %and3A_91], %add3A_94 : memref<18x128xi32, #tpu.memory_space<vmem>>[vector<16xi32>, vector<16xi32>], vector<16xi32>,
        %add3A_95 = arith.constant 48 : i32
        %add3A_96 = arith.addi %scan3A_47, %add3A_95 : i32
        %add3A_97 = vector.broadcast %add3A_96 : i32 to vector<16xi32>
        %add3A_98 = arith.addi %add3A_97, %iota3A : vector<16xi32>
        %add3A_99 = arith.constant 48 : i32
        %add3A_100 = vector.broadcast %add3A_99 : i32 to vector<16xi32>
        %add3A_101 = arith.addi %add3A_100, %iota3A : vector<16xi32>
        tpu.vector_store_idx %arg10[%add3A_98], %add3A_101 : memref<2256xi32, #tpu.memory_space<vmem>>[vector<16xi32>], vector<16xi32>,
        %shift_right_arithmetic3A_102 = arith.constant 7 : i32
        %shift_right_arithmetic3A_103 = vector.broadcast %shift_right_arithmetic3A_102 : i32 to vector<16xi32>
        %shift_right_arithmetic3A_104 = arith.shrsi %add3A_98, %shift_right_arithmetic3A_103 : vector<16xi32>
        %and3A_105 = arith.constant 127 : i32
        %and3A_106 = vector.broadcast %and3A_105 : i32 to vector<16xi32>
        %and3A_107 = arith.andi %add3A_98, %and3A_106 : vector<16xi32>
        %add3A_108 = arith.constant 10288 : i32
        %add3A_109 = vector.broadcast %add3A_108 : i32 to vector<16xi32>
        %add3A_110 = arith.addi %add3A_109, %iota3A : vector<16xi32>
        tpu.vector_store_idx %arg11[%shift_right_arithmetic3A_104, %and3A_107], %add3A_110 : memref<18x128xi32, #tpu.memory_space<vmem>>[vector<16xi32>, vector<16xi32>], vector<16xi32>,
        %add3A_111 = arith.constant 64 : i32
        %add3A_112 = arith.addi %scan3A_47, %add3A_111 : i32
        %add3A_113 = vector.broadcast %add3A_112 : i32 to vector<16xi32>
        %add3A_114 = arith.addi %add3A_113, %iota3A : vector<16xi32>
        %add3A_115 = arith.constant 64 : i32
        %add3A_116 = vector.broadcast %add3A_115 : i32 to vector<16xi32>
        %add3A_117 = arith.addi %add3A_116, %iota3A : vector<16xi32>
        tpu.vector_store_idx %arg10[%add3A_114], %add3A_117 : memref<2256xi32, #tpu.memory_space<vmem>>[vector<16xi32>], vector<16xi32>,
        %shift_right_arithmetic3A_118 = arith.constant 7 : i32
        %shift_right_arithmetic3A_119 = vector.broadcast %shift_right_arithmetic3A_118 : i32 to vector<16xi32>
        %shift_right_arithmetic3A_120 = arith.shrsi %add3A_114, %shift_right_arithmetic3A_119 : vector<16xi32>
        %and3A_121 = arith.constant 127 : i32
        %and3A_122 = vector.broadcast %and3A_121 : i32 to vector<16xi32>
        %and3A_123 = arith.andi %add3A_114, %and3A_122 : vector<16xi32>
        %add3A_124 = arith.constant 10304 : i32
        %add3A_125 = vector.broadcast %add3A_124 : i32 to vector<16xi32>
        %add3A_126 = arith.addi %add3A_125, %iota3A : vector<16xi32>
        tpu.vector_store_idx %arg11[%shift_right_arithmetic3A_120, %and3A_123], %add3A_126 : memref<18x128xi32, #tpu.memory_space<vmem>>[vector<16xi32>, vector<16xi32>], vector<16xi32>,
        %add3A_127 = arith.constant 80 : i32
        %add3A_128 = arith.addi %scan3A_47, %add3A_127 : i32
        %add3A_129 = vector.broadcast %add3A_128 : i32 to vector<16xi32>
        %add3A_130 = arith.addi %add3A_129, %iota3A : vector<16xi32>
        %add3A_131 = arith.constant 80 : i32
        %add3A_132 = vector.broadcast %add3A_131 : i32 to vector<16xi32>
        %add3A_133 = arith.addi %add3A_132, %iota3A : vector<16xi32>
        tpu.vector_store_idx %arg10[%add3A_130], %add3A_133 : memref<2256xi32, #tpu.memory_space<vmem>>[vector<16xi32>], vector<16xi32>,
        %shift_right_arithmetic3A_134 = arith.constant 7 : i32
        %shift_right_arithmetic3A_135 = vector.broadcast %shift_right_arithmetic3A_134 : i32 to vector<16xi32>
        %shift_right_arithmetic3A_136 = arith.shrsi %add3A_130, %shift_right_arithmetic3A_135 : vector<16xi32>
        %and3A_137 = arith.constant 127 : i32
        %and3A_138 = vector.broadcast %and3A_137 : i32 to vector<16xi32>
        %and3A_139 = arith.andi %add3A_130, %and3A_138 : vector<16xi32>
        %add3A_140 = arith.constant 10320 : i32
        %add3A_141 = vector.broadcast %add3A_140 : i32 to vector<16xi32>
        %add3A_142 = arith.addi %add3A_141, %iota3A : vector<16xi32>
        tpu.vector_store_idx %arg11[%shift_right_arithmetic3A_136, %and3A_139], %add3A_142 : memref<18x128xi32, #tpu.memory_space<vmem>>[vector<16xi32>, vector<16xi32>], vector<16xi32>,
        %add3A_143 = arith.constant 96 : i32
        %add3A_144 = arith.addi %scan3A_47, %add3A_143 : i32
        %add3A_145 = vector.broadcast %add3A_144 : i32 to vector<16xi32>
        %add3A_146 = arith.addi %add3A_145, %iota3A : vector<16xi32>
        %add3A_147 = arith.constant 96 : i32
        %add3A_148 = vector.broadcast %add3A_147 : i32 to vector<16xi32>
        %add3A_149 = arith.addi %add3A_148, %iota3A : vector<16xi32>
        tpu.vector_store_idx %arg10[%add3A_146], %add3A_149 : memref<2256xi32, #tpu.memory_space<vmem>>[vector<16xi32>], vector<16xi32>,
        %shift_right_arithmetic3A_150 = arith.constant 7 : i32
        %shift_right_arithmetic3A_151 = vector.broadcast %shift_right_arithmetic3A_150 : i32 to vector<16xi32>
        %shift_right_arithmetic3A_152 = arith.shrsi %add3A_146, %shift_right_arithmetic3A_151 : vector<16xi32>
        %and3A_153 = arith.constant 127 : i32
        %and3A_154 = vector.broadcast %and3A_153 : i32 to vector<16xi32>
        %and3A_155 = arith.andi %add3A_146, %and3A_154 : vector<16xi32>
        %add3A_156 = arith.constant 10336 : i32
        %add3A_157 = vector.broadcast %add3A_156 : i32 to vector<16xi32>
        %add3A_158 = arith.addi %add3A_157, %iota3A : vector<16xi32>
        tpu.vector_store_idx %arg11[%shift_right_arithmetic3A_152, %and3A_155], %add3A_158 : memref<18x128xi32, #tpu.memory_space<vmem>>[vector<16xi32>, vector<16xi32>], vector<16xi32>,
        %add3A_159 = arith.constant 112 : i32
        %add3A_160 = arith.addi %scan3A_47, %add3A_159 : i32
        %add3A_161 = vector.broadcast %add3A_160 : i32 to vector<16xi32>
        %add3A_162 = arith.addi %add3A_161, %iota3A : vector<16xi32>
        %add3A_163 = arith.constant 112 : i32
        %add3A_164 = vector.broadcast %add3A_163 : i32 to vector<16xi32>
        %add3A_165 = arith.addi %add3A_164, %iota3A : vector<16xi32>
        tpu.vector_store_idx %arg10[%add3A_162], %add3A_165 : memref<2256xi32, #tpu.memory_space<vmem>>[vector<16xi32>], vector<16xi32>,
        %shift_right_arithmetic3A_166 = arith.constant 7 : i32
        %shift_right_arithmetic3A_167 = vector.broadcast %shift_right_arithmetic3A_166 : i32 to vector<16xi32>
        %shift_right_arithmetic3A_168 = arith.shrsi %add3A_162, %shift_right_arithmetic3A_167 : vector<16xi32>
        %and3A_169 = arith.constant 127 : i32
        %and3A_170 = vector.broadcast %and3A_169 : i32 to vector<16xi32>
        %and3A_171 = arith.andi %add3A_162, %and3A_170 : vector<16xi32>
        %add3A_172 = arith.constant 10352 : i32
        %add3A_173 = vector.broadcast %add3A_172 : i32 to vector<16xi32>
        %add3A_174 = arith.addi %add3A_173, %iota3A : vector<16xi32>
        tpu.vector_store_idx %arg11[%shift_right_arithmetic3A_168, %and3A_171], %add3A_174 : memref<18x128xi32, #tpu.memory_space<vmem>>[vector<16xi32>, vector<16xi32>], vector<16xi32>,
        %add3A_175 = arith.constant 127 : i32
        %add3A_176 = arith.addi %scan3A_47, %add3A_175 : i32
        %jit3A = arith.constant 128 : i32
        %div3A = arith.divsi %add3A_176, %jit3A : i32
        %sign3A = arith.constant 0 : i32
        %sign3A_177 = arith.cmpi sgt, %add3A_176, %sign3A : i32
        %sign3A_178 = arith.extui %sign3A_177 : i1 to i32
        %sign3A_179 = arith.constant 0 : i32
        %sign3A_180 = arith.cmpi slt, %add3A_176, %sign3A_179 : i32
        %sign3A_181 = arith.extui %sign3A_180 : i1 to i32
        %sign3A_182 = arith.subi %sign3A_178, %sign3A_181 : i32
        %sign3A_183 = arith.constant 0 : i32
        %sign3A_184 = arith.cmpi sgt, %jit3A, %sign3A_183 : i32
        %sign3A_185 = arith.extui %sign3A_184 : i1 to i32
        %sign3A_186 = arith.constant 0 : i32
        %sign3A_187 = arith.cmpi slt, %jit3A, %sign3A_186 : i32
        %sign3A_188 = arith.extui %sign3A_187 : i1 to i32
        %sign3A_189 = arith.subi %sign3A_185, %sign3A_188 : i32
        %ne3A = arith.cmpi ne, %sign3A_182, %sign3A_189 : i32
        %rem3A = arith.remsi %add3A_176, %jit3A : i32
        %ne3A_190 = arith.constant 0 : i32
        %ne3A_191 = arith.cmpi ne, %rem3A, %ne3A_190 : i32
        %and3A_192 = arith.andi %ne3A, %ne3A_191 : i1
        %sub3A = arith.constant 1 : i32
        %sub3A_193 = arith.subi %div3A, %sub3A : i32
        %select_n3A = arith.select %and3A_192, %sub3A_193, %div3A : i32
        %while3A = arith.constant 0 : i32
        %while3A_194 = arith.constant 0 : i32
        %while3A_195 = arith.subi %select_n3A, %while3A_194 : i32
        %while3A_196 = arith.addi %while3A_194, %while3A_195 : i32
        %while3A_197 = arith.constant 1 : i32
        %while3A_198 = arith.divsi %while3A_195, %while3A_197 : i32
        %while3A_199 = arith.muli %while3A_198, %while3A_197 : i32
        %while3A_200 = arith.addi %while3A_194, %while3A_199 : i32
        %while3A_201 = arith.constant 1 : i32
        scf.for %while3A_203 = %while3A_194 to %while3A_200 step %while3A_201  : i32 {
          %mul3A_204 = arith.constant 128 : i32
          %mul3A_205 = arith.muli %while3A_203, %mul3A_204 : i32
          %dma_start3A = tpu.memref_slice %arg10[%mul3A_205] : memref<2256xi32, #tpu.memory_space<vmem>> -> memref<128xi32, #tpu.memory_space<vmem>>
          %dma_start3A_206 = arith.constant 0 : i32
          %dma_start3A_207 = arith.constant 0 : i32
          %dma_start3A_208 = tpu.memref_slice %arg5[%dma_start3A_206, %dma_start3A_207] : memref<50000x128xf32, #tpu.memory_space<hbm>> -> memref<50000x128xf32, #tpu.memory_space<hbm>>
          tpu.enqueue_indirect_dma source(%dma_start3A_208 : memref<50000x128xf32, #tpu.memory_space<hbm>>) target(%arg12 : memref<128x128xf32, #tpu.memory_space<vmem>>) offsets(%dma_start3A : memref<128xi32, #tpu.memory_space<vmem>>) semaphore(%arg15 : memref<!tpu.dma_semaphore, #tpu.memory_space<semaphore_mem>>)
          %dma_wait3A = tpu.memref_slice %arg10[%mul3A_205] : memref<2256xi32, #tpu.memory_space<vmem>> -> memref<128xi32, #tpu.memory_space<vmem>>
          %dma_wait3A_209 = arith.constant 0 : i32
          %dma_wait3A_210 = arith.constant 0 : i32
          %dma_wait3A_211 = tpu.memref_slice %arg5[%dma_wait3A_209, %dma_wait3A_210] : memref<50000x128xf32, #tpu.memory_space<hbm>> -> memref<50000x128xf32, #tpu.memory_space<hbm>>
          tpu.wait_indirect_dma semaphore(%arg15 : memref<!tpu.dma_semaphore, #tpu.memory_space<semaphore_mem>>) src(%dma_wait3A_211 : memref<50000x128xf32, #tpu.memory_space<hbm>>) dst(%arg12 : memref<128x128xf32, #tpu.memory_space<vmem>>)
          "tpu.region"() ({
            %run_scoped3A = tpu.sem_alloc : memref<!tpu.dma_semaphore, #tpu.memory_space<semaphore_mem>>
            %dma_start3A_212 = arith.constant 0 : i32
            %dma_start3A_213 = tpu.memref_slice %arg11[%while3A_203, %dma_start3A_212] : memref<18x128xi32, #tpu.memory_space<vmem>> -> memref<1x128xi32, #tpu.memory_space<vmem>>
            %dma_start3A_214 = tpu.memref_squeeze %dma_start3A_213 : memref<1x128xi32, #tpu.memory_space<vmem>> -> memref<128xi32, #tpu.memory_space<vmem>>
            %dma_start3A_215 = arith.constant 0 : i32
            %dma_start3A_216 = arith.constant 0 : i32
            %dma_start3A_217 = tpu.memref_slice %arg14[%dma_start3A_215, %dma_start3A_216] : memref<10368x128xf32, #tpu.memory_space<vmem_shared>> -> memref<10368x128xf32, #tpu.memory_space<vmem_shared>>
            tpu.enqueue_indirect_dma source(%arg12 : memref<128x128xf32, #tpu.memory_space<vmem>>) target(%dma_start3A_217 : memref<10368x128xf32, #tpu.memory_space<vmem_shared>>) offsets(%dma_start3A_214 : memref<128xi32, #tpu.memory_space<vmem>>) semaphore(%run_scoped3A : memref<!tpu.dma_semaphore, #tpu.memory_space<semaphore_mem>>) {add = true}
            %dma_wait3A_218 = arith.constant 0 : i32
            %dma_wait3A_219 = tpu.memref_slice %arg11[%while3A_203, %dma_wait3A_218] : memref<18x128xi32, #tpu.memory_space<vmem>> -> memref<1x128xi32, #tpu.memory_space<vmem>>
            %dma_wait3A_220 = tpu.memref_squeeze %dma_wait3A_219 : memref<1x128xi32, #tpu.memory_space<vmem>> -> memref<128xi32, #tpu.memory_space<vmem>>
            %dma_wait3A_221 = arith.constant 0 : i32
            %dma_wait3A_222 = arith.constant 0 : i32
            %dma_wait3A_223 = tpu.memref_slice %arg14[%dma_wait3A_221, %dma_wait3A_222] : memref<10368x128xf32, #tpu.memory_space<vmem_shared>> -> memref<10368x128xf32, #tpu.memory_space<vmem_shared>>
            tpu.wait_indirect_dma semaphore(%run_scoped3A : memref<!tpu.dma_semaphore, #tpu.memory_space<semaphore_mem>>) src(%arg12 : memref<128x128xf32, #tpu.memory_space<vmem>>) dst(%dma_wait3A_223 : memref<10368x128xf32, #tpu.memory_space<vmem_shared>>)
            tpu.yield
          }) : () -> ()
        }
        %while3A_202 = arith.constant 1 : i32
        scf.for %while3A_203 = %while3A_200 to %while3A_196 step %while3A_202  : i32 {
          %mul3A_204 = arith.constant 128 : i32
          %mul3A_205 = arith.muli %while3A_203, %mul3A_204 : i32
          %dma_start3A = tpu.memref_slice %arg10[%mul3A_205] : memref<2256xi32, #tpu.memory_space<vmem>> -> memref<128xi32, #tpu.memory_space<vmem>>
          %dma_start3A_206 = arith.constant 0 : i32
          %dma_start3A_207 = arith.constant 0 : i32
          %dma_start3A_208 = tpu.memref_slice %arg5[%dma_start3A_206, %dma_start3A_207] : memref<50000x128xf32, #tpu.memory_space<hbm>> -> memref<50000x128xf32, #tpu.memory_space<hbm>>
          tpu.enqueue_indirect_dma source(%dma_start3A_208 : memref<50000x128xf32, #tpu.memory_space<hbm>>) target(%arg12 : memref<128x128xf32, #tpu.memory_space<vmem>>) offsets(%dma_start3A : memref<128xi32, #tpu.memory_space<vmem>>) semaphore(%arg15 : memref<!tpu.dma_semaphore, #tpu.memory_space<semaphore_mem>>)
          %dma_wait3A = tpu.memref_slice %arg10[%mul3A_205] : memref<2256xi32, #tpu.memory_space<vmem>> -> memref<128xi32, #tpu.memory_space<vmem>>
          %dma_wait3A_209 = arith.constant 0 : i32
          %dma_wait3A_210 = arith.constant 0 : i32
          %dma_wait3A_211 = tpu.memref_slice %arg5[%dma_wait3A_209, %dma_wait3A_210] : memref<50000x128xf32, #tpu.memory_space<hbm>> -> memref<50000x128xf32, #tpu.memory_space<hbm>>
          tpu.wait_indirect_dma semaphore(%arg15 : memref<!tpu.dma_semaphore, #tpu.memory_space<semaphore_mem>>) src(%dma_wait3A_211 : memref<50000x128xf32, #tpu.memory_space<hbm>>) dst(%arg12 : memref<128x128xf32, #tpu.memory_space<vmem>>)
          "tpu.region"() ({
            %run_scoped3A = tpu.sem_alloc : memref<!tpu.dma_semaphore, #tpu.memory_space<semaphore_mem>>
            %dma_start3A_212 = arith.constant 0 : i32
            %dma_start3A_213 = tpu.memref_slice %arg11[%while3A_203, %dma_start3A_212] : memref<18x128xi32, #tpu.memory_space<vmem>> -> memref<1x128xi32, #tpu.memory_space<vmem>>
            %dma_start3A_214 = tpu.memref_squeeze %dma_start3A_213 : memref<1x128xi32, #tpu.memory_space<vmem>> -> memref<128xi32, #tpu.memory_space<vmem>>
            %dma_start3A_215 = arith.constant 0 : i32
            %dma_start3A_216 = arith.constant 0 : i32
            %dma_start3A_217 = tpu.memref_slice %arg14[%dma_start3A_215, %dma_start3A_216] : memref<10368x128xf32, #tpu.memory_space<vmem_shared>> -> memref<10368x128xf32, #tpu.memory_space<vmem_shared>>
            tpu.enqueue_indirect_dma source(%arg12 : memref<128x128xf32, #tpu.memory_space<vmem>>) target(%dma_start3A_217 : memref<10368x128xf32, #tpu.memory_space<vmem_shared>>) offsets(%dma_start3A_214 : memref<128xi32, #tpu.memory_space<vmem>>) semaphore(%run_scoped3A : memref<!tpu.dma_semaphore, #tpu.memory_space<semaphore_mem>>) {add = true}
            %dma_wait3A_218 = arith.constant 0 : i32
            %dma_wait3A_219 = tpu.memref_slice %arg11[%while3A_203, %dma_wait3A_218] : memref<18x128xi32, #tpu.memory_space<vmem>> -> memref<1x128xi32, #tpu.memory_space<vmem>>
            %dma_wait3A_220 = tpu.memref_squeeze %dma_wait3A_219 : memref<1x128xi32, #tpu.memory_space<vmem>> -> memref<128xi32, #tpu.memory_space<vmem>>
            %dma_wait3A_221 = arith.constant 0 : i32
            %dma_wait3A_222 = arith.constant 0 : i32
            %dma_wait3A_223 = tpu.memref_slice %arg14[%dma_wait3A_221, %dma_wait3A_222] : memref<10368x128xf32, #tpu.memory_space<vmem_shared>> -> memref<10368x128xf32, #tpu.memory_space<vmem_shared>>
            tpu.wait_indirect_dma semaphore(%run_scoped3A : memref<!tpu.dma_semaphore, #tpu.memory_space<semaphore_mem>>) src(%arg12 : memref<128x128xf32, #tpu.memory_space<vmem>>) dst(%dma_wait3A_223 : memref<10368x128xf32, #tpu.memory_space<vmem_shared>>)
            tpu.yield
          }) : () -> ()
        }
      }
      %scan3A_27 = arith.constant 25 : i32
      %barrier3A_28 = arith.constant 0 : index
      tpu.barrier barrier_id(%barrier3A_28)
      %scan3A_29 = arith.constant 0 : i32
      %scan3A_30 = arith.constant 0 : i32
      %scan3A_31 = arith.constant 5 : i32
      %scan3A_32 = arith.addi %scan3A_30, %scan3A_31 : i32
      %scan3A_33 = arith.constant 1 : i32
      scf.for %scan3A_36 = %scan3A_30 to %scan3A_32 step %scan3A_33  : i32 {
        %mul3A_37 = arith.constant 640 : i32
        %mul3A_38 = arith.muli %arg1, %mul3A_37 : i32
        %mul3A_39 = arith.constant 128 : i32
        %mul3A_40 = arith.muli %scan3A_36, %mul3A_39 : i32
        %add3A_41 = arith.addi %mul3A_38, %mul3A_40 : i32
        %mul3A_42 = arith.constant 10 : i32
        %mul3A_43 = arith.muli %arg0, %mul3A_42 : i32
        %add3A_44 = arith.addi %mul3A_43, %scan3A_12 : i32
        %mul3A_45 = arith.constant 2560 : i32
        %mul3A_46 = arith.muli %add3A_44, %mul3A_45 : i32
        %mul3A_47 = arith.constant 4 : i32
        %mul3A_48 = arith.muli %mul3A_46, %mul3A_47 : i32
        %add3A_49 = arith.addi %mul3A_48, %add3A_41 : i32
        "tpu.region"() ({
          %run_scoped3A = tpu.sem_alloc : memref<!tpu.dma_semaphore, #tpu.memory_space<semaphore_mem>>
          %dma_start3A = arith.constant 0 : i32
          %dma_start3A_50 = arith.constant 0 : i32
          %dma_start3A_51 = tpu.memref_slice %arg12[%dma_start3A, %dma_start3A_50] : memref<128x128xf32, #tpu.memory_space<vmem>> -> memref<128x128xf32, #tpu.memory_space<vmem>>
          %dma_start3A_52 = arith.constant 0 : i32
          %dma_start3A_53 = tpu.memref_slice %arg14[%add3A_41, %dma_start3A_52] : memref<10368x128xf32, #tpu.memory_space<vmem_shared>> -> memref<128x128xf32, #tpu.memory_space<vmem_shared>>
          %dma_start3A_54 = arith.constant 0 : i32
          %dma_start3A_55 = arith.constant 0 : i32
          %dma_start3A_56 = tpu.memref_slice %arg12[%dma_start3A_54, %dma_start3A_55] : memref<128x128xf32, #tpu.memory_space<vmem>> -> memref<128x128xf32, #tpu.memory_space<vmem>>
          %dma_start3A_57 = arith.constant 0 : i32
          %dma_start3A_58 = tpu.memref_slice %arg14[%add3A_41, %dma_start3A_57] : memref<10368x128xf32, #tpu.memory_space<vmem_shared>> -> memref<128x128xf32, #tpu.memory_space<vmem_shared>>
          tpu.enqueue_dma source(%dma_start3A_58 : memref<128x128xf32, #tpu.memory_space<vmem_shared>>) target(%dma_start3A_56 : memref<128x128xf32, #tpu.memory_space<vmem>>) target_semaphore(%run_scoped3A : memref<!tpu.dma_semaphore, #tpu.memory_space<semaphore_mem>>)
          %dma_wait3A = arith.constant 0 : i32
          %dma_wait3A_59 = arith.constant 0 : i32
          %dma_wait3A_60 = tpu.memref_slice %arg12[%dma_wait3A, %dma_wait3A_59] : memref<128x128xf32, #tpu.memory_space<vmem>> -> memref<128x128xf32, #tpu.memory_space<vmem>>
          %dma_wait3A_61 = arith.constant 0 : i32
          %dma_wait3A_62 = tpu.memref_slice %arg14[%add3A_41, %dma_wait3A_61] : memref<10368x128xf32, #tpu.memory_space<vmem_shared>> -> memref<128x128xf32, #tpu.memory_space<vmem_shared>>
          %dma_wait3A_63 = arith.constant 0 : i32
          %dma_wait3A_64 = arith.constant 0 : i32
          %dma_wait3A_65 = tpu.memref_slice %arg12[%dma_wait3A_63, %dma_wait3A_64] : memref<128x128xf32, #tpu.memory_space<vmem>> -> memref<128x128xf32, #tpu.memory_space<vmem>>
          %dma_wait3A_66 = arith.constant 0 : i32
          %dma_wait3A_67 = tpu.memref_slice %arg14[%add3A_41, %dma_wait3A_66] : memref<10368x128xf32, #tpu.memory_space<vmem_shared>> -> memref<128x128xf32, #tpu.memory_space<vmem_shared>>
          tpu.wait_dma2 semaphore(%run_scoped3A : memref<!tpu.dma_semaphore, #tpu.memory_space<semaphore_mem>>) src(%dma_wait3A_67 : memref<128x128xf32, #tpu.memory_space<vmem_shared>>) dst(%dma_wait3A_65 : memref<128x128xf32, #tpu.memory_space<vmem>>)
          tpu.yield
        }) : () -> ()
        "tpu.region"() ({
          %run_scoped3A = tpu.sem_alloc : memref<!tpu.dma_semaphore, #tpu.memory_space<semaphore_mem>>
          %dma_start3A = arith.constant 0 : i32
          %dma_start3A_50 = arith.constant 0 : i32
          %dma_start3A_51 = tpu.memref_slice %arg12[%dma_start3A, %dma_start3A_50] : memref<128x128xf32, #tpu.memory_space<vmem>> -> memref<128x128xf32, #tpu.memory_space<vmem>>
          %dma_start3A_52 = arith.constant 0 : i32
          %dma_start3A_53 = tpu.memref_slice %arg6[%add3A_49, %dma_start3A_52] : memref<204800x128xf32, #tpu.memory_space<hbm>> -> memref<128x128xf32, #tpu.memory_space<hbm>>
          %dma_start3A_54 = arith.constant 0 : i32
          %dma_start3A_55 = tpu.memref_slice %arg6[%add3A_49, %dma_start3A_54] : memref<204800x128xf32, #tpu.memory_space<hbm>> -> memref<128x128xf32, #tpu.memory_space<hbm>>
          %dma_start3A_56 = arith.constant 0 : i32
          %dma_start3A_57 = arith.constant 0 : i32
          %dma_start3A_58 = tpu.memref_slice %arg12[%dma_start3A_56, %dma_start3A_57] : memref<128x128xf32, #tpu.memory_space<vmem>> -> memref<128x128xf32, #tpu.memory_space<vmem>>
          tpu.enqueue_dma source(%dma_start3A_58 : memref<128x128xf32, #tpu.memory_space<vmem>>) target(%dma_start3A_55 : memref<128x128xf32, #tpu.memory_space<hbm>>) target_semaphore(%run_scoped3A : memref<!tpu.dma_semaphore, #tpu.memory_space<semaphore_mem>>)
          %dma_wait3A = arith.constant 0 : i32
          %dma_wait3A_59 = arith.constant 0 : i32
          %dma_wait3A_60 = tpu.memref_slice %arg12[%dma_wait3A, %dma_wait3A_59] : memref<128x128xf32, #tpu.memory_space<vmem>> -> memref<128x128xf32, #tpu.memory_space<vmem>>
          %dma_wait3A_61 = arith.constant 0 : i32
          %dma_wait3A_62 = tpu.memref_slice %arg6[%add3A_49, %dma_wait3A_61] : memref<204800x128xf32, #tpu.memory_space<hbm>> -> memref<128x128xf32, #tpu.memory_space<hbm>>
          %dma_wait3A_63 = arith.constant 0 : i32
          %dma_wait3A_64 = tpu.memref_slice %arg6[%add3A_49, %dma_wait3A_63] : memref<204800x128xf32, #tpu.memory_space<hbm>> -> memref<128x128xf32, #tpu.memory_space<hbm>>
          %dma_wait3A_65 = arith.constant 0 : i32
          %dma_wait3A_66 = arith.constant 0 : i32
          %dma_wait3A_67 = tpu.memref_slice %arg12[%dma_wait3A_65, %dma_wait3A_66] : memref<128x128xf32, #tpu.memory_space<vmem>> -> memref<128x128xf32, #tpu.memory_space<vmem>>
          tpu.wait_dma2 semaphore(%run_scoped3A : memref<!tpu.dma_semaphore, #tpu.memory_space<semaphore_mem>>) src(%dma_wait3A_67 : memref<128x128xf32, #tpu.memory_space<vmem>>) dst(%dma_wait3A_64 : memref<128x128xf32, #tpu.memory_space<hbm>>)
          tpu.yield
        }) : () -> ()
      }
      %scan3A_34 = arith.constant 5 : i32
      %barrier3A_35 = arith.constant 0 : index
      tpu.barrier barrier_id(%barrier3A_35)
    }
    %scan3A_11 = arith.constant 10 : i32
    return
  }
}

module attributes {stable_mosaic.version = 14 : i64} {
  func.func @_tc1_body(%arg0: i32, %arg1: memref<1000x16xf32, #tpu.memory_space<vmem>>, %arg2: memref<1000x64xf32, #tpu.memory_space<vmem>>, %arg3: memref<16x128xf32, #tpu.memory_space<vmem>>, %arg4: memref<64x128xf32, #tpu.memory_space<vmem>>, %arg5: memref<1000x128xf32, #tpu.memory_space<vmem>>, %arg6: memref<1000x4xf32, #tpu.memory_space<vmem>>) attributes {dimension_semantics = [#tpu.dimension_semantics<arbitrary>], iteration_bounds = array<i64: 50>, scalar_prefetch = 0 : i64, scratch_operands = 0 : i64, tpu.core_type = #tpu.core_type<tc>, window_params = [{transform_indices = @transform_0, window_bounds = array<i64: 1000, 16>}, {transform_indices = @transform_1, window_bounds = array<i64: 1000, 64>}, {pipeline_mode = #tpu.pipeline_mode<synchronous>, transform_indices = @transform_2, window_bounds = array<i64: 16, 128>}, {pipeline_mode = #tpu.pipeline_mode<synchronous>, transform_indices = @transform_3, window_bounds = array<i64: 64, 128>}, {transform_indices = @transform_4, window_bounds = array<i64: 1000, 128>}, {transform_indices = @transform_5, window_bounds = array<i64: 1000, 4>}]} {
    %get3A = arith.constant 0 : index
    %get3A_0 = arith.constant 0 : index
    %get3A_1 = vector.load %arg2[%get3A, %get3A_0] : memref<1000x64xf32, #tpu.memory_space<vmem>>, vector<1000x64xf32>
    %iota3A = tpu.iota {dimensions = array<i32: 0>} : vector<64x4xi32>
    %iota3A_2 = tpu.iota {dimensions = array<i32: 1>} : vector<64x4xi32>
    %mul3A = arith.constant 16 : i32
    %mul3A_3 = vector.broadcast %mul3A : i32 to vector<64x4xi32>
    %mul3A_4 = arith.muli %iota3A_2, %mul3A_3 : vector<64x4xi32>
    %add3A = arith.constant 15 : i32
    %add3A_5 = vector.broadcast %add3A : i32 to vector<64x4xi32>
    %add3A_6 = arith.addi %mul3A_4, %add3A_5 : vector<64x4xi32>
    %eq3A = arith.cmpi eq, %iota3A, %add3A_6 : vector<64x4xi32>
    %convert_element_type3A = arith.extui %eq3A : vector<64x4xi1> to vector<64x4xi32>
    %convert_element_type3A_7 = arith.sitofp %convert_element_type3A : vector<64x4xi32> to vector<64x4xf32>
    %dot_general3A = arith.constant dense<0.000000e+00> : vector<1000x4xf32>
    %dot_general3A_8 = tpu.matmul %get3A_1, %convert_element_type3A_7, %dot_general3A {dimension_numbers = #tpu.dot_dimension_numbers<[1], [0], [0], [1], [0, 0, 1, 1], [], []>, transpose_lhs_hint = false} : vector<1000x64xf32>, vector<64x4xf32>, vector<1000x4xf32> -> vector<1000x4xf32>
    %max3A = arith.constant 1.000000e+00 : f32
    %max3A_9 = vector.broadcast %max3A : f32 to vector<1000x4xf32>
    %max3A_10 = arith.maximumf %dot_general3A_8, %max3A_9 : vector<1000x4xf32>
    %div3A = arith.constant 1.000000e+00 : f32
    %div3A_11 = vector.broadcast %div3A : f32 to vector<1000x4xf32>
    %div3A_12 = arith.divf %div3A_11, %max3A_10 : vector<1000x4xf32>
    %iota3A_13 = tpu.iota {dimensions = array<i32: 0>} : vector<4x64xi32>
    %iota3A_14 = tpu.iota {dimensions = array<i32: 1>} : vector<4x64xi32>
    %jit3A = arith.constant 16 : i32
    %div3A_15 = vector.broadcast %jit3A : i32 to vector<4x64xi32>
    %div3A_16 = arith.divsi %iota3A_14, %div3A_15 : vector<4x64xi32>
    %sign3A = arith.constant 0 : i32
    %sign3A_17 = vector.broadcast %sign3A : i32 to vector<4x64xi32>
    %sign3A_18 = arith.cmpi sgt, %iota3A_14, %sign3A_17 : vector<4x64xi32>
    %sign3A_19 = arith.extui %sign3A_18 : vector<4x64xi1> to vector<4x64xi32>
    %sign3A_20 = arith.constant 0 : i32
    %sign3A_21 = vector.broadcast %sign3A_20 : i32 to vector<4x64xi32>
    %sign3A_22 = arith.cmpi slt, %iota3A_14, %sign3A_21 : vector<4x64xi32>
    %sign3A_23 = arith.extui %sign3A_22 : vector<4x64xi1> to vector<4x64xi32>
    %sign3A_24 = arith.subi %sign3A_19, %sign3A_23 : vector<4x64xi32>
    %sign3A_25 = arith.constant 0 : i32
    %sign3A_26 = arith.cmpi sgt, %jit3A, %sign3A_25 : i32
    %sign3A_27 = arith.extui %sign3A_26 : i1 to i32
    %sign3A_28 = arith.constant 0 : i32
    %sign3A_29 = arith.cmpi slt, %jit3A, %sign3A_28 : i32
    %sign3A_30 = arith.extui %sign3A_29 : i1 to i32
    %sign3A_31 = arith.subi %sign3A_27, %sign3A_30 : i32
    %ne3A = vector.broadcast %sign3A_31 : i32 to vector<4x64xi32>
    %ne3A_32 = arith.cmpi ne, %sign3A_24, %ne3A : vector<4x64xi32>
    %rem3A = vector.broadcast %jit3A : i32 to vector<4x64xi32>
    %rem3A_33 = arith.remsi %iota3A_14, %rem3A : vector<4x64xi32>
    %ne3A_34 = arith.constant 0 : i32
    %ne3A_35 = vector.broadcast %ne3A_34 : i32 to vector<4x64xi32>
    %ne3A_36 = arith.cmpi ne, %rem3A_33, %ne3A_35 : vector<4x64xi32>
    %and3A = arith.andi %ne3A_32, %ne3A_36 : vector<4x64xi1>
    %sub3A = arith.constant 1 : i32
    %sub3A_37 = vector.broadcast %sub3A : i32 to vector<4x64xi32>
    %sub3A_38 = arith.subi %div3A_16, %sub3A_37 : vector<4x64xi32>
    %select_n3A = arith.select %and3A, %sub3A_38, %div3A_16 : vector<4x64xi1>, vector<4x64xi32>
    %eq3A_39 = arith.cmpi eq, %select_n3A, %iota3A_13 : vector<4x64xi32>
    %convert_element_type3A_40 = arith.extui %eq3A_39 : vector<4x64xi1> to vector<4x64xi32>
    %convert_element_type3A_41 = arith.sitofp %convert_element_type3A_40 : vector<4x64xi32> to vector<4x64xf32>
    %dot_general3A_42 = arith.constant dense<0.000000e+00> : vector<1000x64xf32>
    %dot_general3A_43 = tpu.matmul %div3A_12, %convert_element_type3A_41, %dot_general3A_42 {dimension_numbers = #tpu.dot_dimension_numbers<[1], [0], [0], [1], [0, 0, 1, 1], [], []>, transpose_lhs_hint = false} : vector<1000x4xf32>, vector<4x64xf32>, vector<1000x64xf32> -> vector<1000x64xf32>
    %mul3A_44 = arith.mulf %get3A_1, %dot_general3A_43 : vector<1000x64xf32>
    %get3A_45 = arith.constant 0 : index
    %get3A_46 = arith.constant 0 : index
    %get3A_47 = vector.load %arg1[%get3A_45, %get3A_46] : memref<1000x16xf32, #tpu.memory_space<vmem>>, vector<1000x16xf32>
    %get3A_48 = arith.constant 0 : index
    %get3A_49 = arith.constant 0 : index
    %get3A_50 = vector.load %arg3[%get3A_48, %get3A_49] : memref<16x128xf32, #tpu.memory_space<vmem>>, vector<16x128xf32>
    %dot_general3A_51 = arith.constant dense<0.000000e+00> : vector<1000x128xf32>
    %dot_general3A_52 = tpu.matmul %get3A_47, %get3A_50, %dot_general3A_51 {dimension_numbers = #tpu.dot_dimension_numbers<[1], [0], [0], [1], [0, 0, 1, 1], [], []>, transpose_lhs_hint = false} : vector<1000x16xf32>, vector<16x128xf32>, vector<1000x128xf32> -> vector<1000x128xf32>
    %get3A_53 = arith.constant 0 : index
    %get3A_54 = arith.constant 0 : index
    %get3A_55 = vector.load %arg4[%get3A_53, %get3A_54] : memref<64x128xf32, #tpu.memory_space<vmem>>, vector<64x128xf32>
    %dot_general3A_56 = arith.constant dense<0.000000e+00> : vector<1000x128xf32>
    %dot_general3A_57 = tpu.matmul %mul3A_44, %get3A_55, %dot_general3A_56 {dimension_numbers = #tpu.dot_dimension_numbers<[1], [0], [0], [1], [0, 0, 1, 1], [], []>, transpose_lhs_hint = false} : vector<1000x64xf32>, vector<64x128xf32>, vector<1000x128xf32> -> vector<1000x128xf32>
    %add3A_58 = arith.addf %dot_general3A_52, %dot_general3A_57 : vector<1000x128xf32>
    %max3A_59 = arith.constant 0.000000e+00 : f32
    %max3A_60 = vector.broadcast %max3A_59 : f32 to vector<1000x128xf32>
    %max3A_61 = arith.maximumf %add3A_58, %max3A_60 : vector<1000x128xf32>
    %swap3A = arith.constant 0 : index
    %swap3A_62 = arith.constant 0 : index
    %swap3A_63 = vector.load %arg5[%swap3A, %swap3A_62] : memref<1000x128xf32, #tpu.memory_space<vmem>>, vector<1000x128xf32>
    tpu.vector_store %arg5[%swap3A, %swap3A_62], %max3A_61 {strides = array<i32>} : memref<1000x128xf32, #tpu.memory_space<vmem>>, vector<1000x128xf32>,
    %swap3A_64 = arith.constant 0 : index
    %swap3A_65 = arith.constant 0 : index
    %swap3A_66 = vector.load %arg6[%swap3A_64, %swap3A_65] : memref<1000x4xf32, #tpu.memory_space<vmem>>, vector<1000x4xf32>
    tpu.vector_store %arg6[%swap3A_64, %swap3A_65], %div3A_12 {strides = array<i32>} : memref<1000x4xf32, #tpu.memory_space<vmem>>, vector<1000x4xf32>,
    return
  }
  func.func @transform_0(%arg0: i32) -> (i32, i32) {
    %c0_i32 = arith.constant 0 : i32
    %c0_i32_0 = arith.constant 0 : i32
    return %arg0, %c0_i32 : i32, i32
  }
  func.func @transform_1(%arg0: i32) -> (i32, i32) {
    %c0_i32 = arith.constant 0 : i32
    %c0_i32_0 = arith.constant 0 : i32
    return %arg0, %c0_i32 : i32, i32
  }
  func.func @transform_2(%arg0: i32) -> (i32, i32) {
    %c0_i32 = arith.constant 0 : i32
    %c0_i32_0 = arith.constant 0 : i32
    %c0_i32_1 = arith.constant 0 : i32
    return %c0_i32, %c0_i32_0 : i32, i32
  }
  func.func @transform_3(%arg0: i32) -> (i32, i32) {
    %c0_i32 = arith.constant 0 : i32
    %c0_i32_0 = arith.constant 0 : i32
    %c0_i32_1 = arith.constant 0 : i32
    return %c0_i32, %c0_i32_0 : i32, i32
  }
  func.func @transform_4(%arg0: i32) -> (i32, i32) {
    %c0_i32 = arith.constant 0 : i32
    %c0_i32_0 = arith.constant 0 : i32
    return %arg0, %c0_i32 : i32, i32
  }
  func.func @transform_5(%arg0: i32) -> (i32, i32) {
    %c0_i32 = arith.constant 0 : i32
    %c0_i32_0 = arith.constant 0 : i32
    return %arg0, %c0_i32 : i32, i32
  }
}

module attributes {stable_mosaic.version = 14 : i64} {
  func.func @_tc2_body(%arg0: i32, %arg1: memref<1000x128xf32, #tpu.memory_space<vmem>>, %arg2: memref<1000x512xf32, #tpu.memory_space<vmem>>, %arg3: memref<1000x4xf32, #tpu.memory_space<vmem>>, %arg4: memref<1000x1xf32, #tpu.memory_space<vmem>>, %arg5: memref<128x128xf32, #tpu.memory_space<vmem>>, %arg6: memref<512x128xf32, #tpu.memory_space<vmem>>, %arg7: memref<1x128xf32, #tpu.memory_space<vmem>>, %arg8: memref<64x128xf32, #tpu.memory_space<vmem>>, %arg9: memref<64x128xf32, #tpu.memory_space<vmem>>, %arg10: memref<64x128xf32, #tpu.memory_space<vmem>>) attributes {dimension_semantics = [#tpu.dimension_semantics<arbitrary>], iteration_bounds = array<i64: 50>, scalar_prefetch = 0 : i64, scratch_operands = 2 : i64, tpu.core_type = #tpu.core_type<tc>, window_params = [{transform_indices = @transform_0, window_bounds = array<i64: 1000, 128>}, {transform_indices = @transform_1, window_bounds = array<i64: 1000, 512>}, {transform_indices = @transform_2, window_bounds = array<i64: 1000, 4>}, {transform_indices = @transform_3, window_bounds = array<i64: 1000, 1>}, {pipeline_mode = #tpu.pipeline_mode<synchronous>, transform_indices = @transform_4, window_bounds = array<i64: 128, 128>}, {pipeline_mode = #tpu.pipeline_mode<synchronous>, transform_indices = @transform_5, window_bounds = array<i64: 512, 128>}, {pipeline_mode = #tpu.pipeline_mode<synchronous>, transform_indices = @transform_6, window_bounds = array<i64: 1, 128>}, {pipeline_mode = #tpu.pipeline_mode<synchronous>, transform_indices = @transform_7, window_bounds = array<i64: 64, 128>}]} {
    %get3A = arith.constant 0 : index
    %get3A_0 = arith.constant 0 : index
    %get3A_1 = vector.load %arg2[%get3A, %get3A_0] : memref<1000x512xf32, #tpu.memory_space<vmem>>, vector<1000x512xf32>
    %get3A_2 = arith.constant 0 : index
    %get3A_3 = arith.constant 0 : index
    %get3A_4 = vector.load %arg3[%get3A_2, %get3A_3] : memref<1000x4xf32, #tpu.memory_space<vmem>>, vector<1000x4xf32>
    %iota3A = tpu.iota {dimensions = array<i32: 0>} : vector<4x512xi32>
    %iota3A_5 = tpu.iota {dimensions = array<i32: 1>} : vector<4x512xi32>
    %jit3A = arith.constant 128 : i32
    %div3A = vector.broadcast %jit3A : i32 to vector<4x512xi32>
    %div3A_6 = arith.divsi %iota3A_5, %div3A : vector<4x512xi32>
    %sign3A = arith.constant 0 : i32
    %sign3A_7 = vector.broadcast %sign3A : i32 to vector<4x512xi32>
    %sign3A_8 = arith.cmpi sgt, %iota3A_5, %sign3A_7 : vector<4x512xi32>
    %sign3A_9 = arith.extui %sign3A_8 : vector<4x512xi1> to vector<4x512xi32>
    %sign3A_10 = arith.constant 0 : i32
    %sign3A_11 = vector.broadcast %sign3A_10 : i32 to vector<4x512xi32>
    %sign3A_12 = arith.cmpi slt, %iota3A_5, %sign3A_11 : vector<4x512xi32>
    %sign3A_13 = arith.extui %sign3A_12 : vector<4x512xi1> to vector<4x512xi32>
    %sign3A_14 = arith.subi %sign3A_9, %sign3A_13 : vector<4x512xi32>
    %sign3A_15 = arith.constant 0 : i32
    %sign3A_16 = arith.cmpi sgt, %jit3A, %sign3A_15 : i32
    %sign3A_17 = arith.extui %sign3A_16 : i1 to i32
    %sign3A_18 = arith.constant 0 : i32
    %sign3A_19 = arith.cmpi slt, %jit3A, %sign3A_18 : i32
    %sign3A_20 = arith.extui %sign3A_19 : i1 to i32
    %sign3A_21 = arith.subi %sign3A_17, %sign3A_20 : i32
    %ne3A = vector.broadcast %sign3A_21 : i32 to vector<4x512xi32>
    %ne3A_22 = arith.cmpi ne, %sign3A_14, %ne3A : vector<4x512xi32>
    %rem3A = vector.broadcast %jit3A : i32 to vector<4x512xi32>
    %rem3A_23 = arith.remsi %iota3A_5, %rem3A : vector<4x512xi32>
    %ne3A_24 = arith.constant 0 : i32
    %ne3A_25 = vector.broadcast %ne3A_24 : i32 to vector<4x512xi32>
    %ne3A_26 = arith.cmpi ne, %rem3A_23, %ne3A_25 : vector<4x512xi32>
    %and3A = arith.andi %ne3A_22, %ne3A_26 : vector<4x512xi1>
    %sub3A = arith.constant 1 : i32
    %sub3A_27 = vector.broadcast %sub3A : i32 to vector<4x512xi32>
    %sub3A_28 = arith.subi %div3A_6, %sub3A_27 : vector<4x512xi32>
    %select_n3A = arith.select %and3A, %sub3A_28, %div3A_6 : vector<4x512xi1>, vector<4x512xi32>
    %eq3A = arith.cmpi eq, %select_n3A, %iota3A : vector<4x512xi32>
    %convert_element_type3A = arith.extui %eq3A : vector<4x512xi1> to vector<4x512xi32>
    %convert_element_type3A_29 = arith.sitofp %convert_element_type3A : vector<4x512xi32> to vector<4x512xf32>
    %dot_general3A = arith.constant dense<0.000000e+00> : vector<1000x512xf32>
    %dot_general3A_30 = tpu.matmul %get3A_4, %convert_element_type3A_29, %dot_general3A {dimension_numbers = #tpu.dot_dimension_numbers<[1], [0], [0], [1], [0, 0, 1, 1], [], []>, transpose_lhs_hint = false} : vector<1000x4xf32>, vector<4x512xf32>, vector<1000x512xf32> -> vector<1000x512xf32>
    %mul3A = arith.mulf %get3A_1, %dot_general3A_30 : vector<1000x512xf32>
    %get3A_31 = arith.constant 0 : index
    %get3A_32 = arith.constant 0 : index
    %get3A_33 = vector.load %arg1[%get3A_31, %get3A_32] : memref<1000x128xf32, #tpu.memory_space<vmem>>, vector<1000x128xf32>
    %get3A_34 = arith.constant 0 : index
    %get3A_35 = arith.constant 0 : index
    %get3A_36 = vector.load %arg5[%get3A_34, %get3A_35] : memref<128x128xf32, #tpu.memory_space<vmem>>, vector<128x128xf32>
    %dot_general3A_37 = arith.constant dense<0.000000e+00> : vector<1000x128xf32>
    %dot_general3A_38 = tpu.matmul %get3A_33, %get3A_36, %dot_general3A_37 {dimension_numbers = #tpu.dot_dimension_numbers<[1], [0], [0], [1], [0, 0, 1, 1], [], []>, transpose_lhs_hint = false} : vector<1000x128xf32>, vector<128x128xf32>, vector<1000x128xf32> -> vector<1000x128xf32>
    %get3A_39 = arith.constant 0 : index
    %get3A_40 = arith.constant 0 : index
    %get3A_41 = vector.load %arg6[%get3A_39, %get3A_40] : memref<512x128xf32, #tpu.memory_space<vmem>>, vector<512x128xf32>
    %dot_general3A_42 = arith.constant dense<0.000000e+00> : vector<1000x128xf32>
    %dot_general3A_43 = tpu.matmul %mul3A, %get3A_41, %dot_general3A_42 {dimension_numbers = #tpu.dot_dimension_numbers<[1], [0], [0], [1], [0, 0, 1, 1], [], []>, transpose_lhs_hint = false} : vector<1000x512xf32>, vector<512x128xf32>, vector<1000x128xf32> -> vector<1000x128xf32>
    %add3A = arith.addf %dot_general3A_38, %dot_general3A_43 : vector<1000x128xf32>
    %get3A_44 = arith.constant 0 : index
    %get3A_45 = arith.constant 0 : index
    %get3A_46 = vector.load %arg7[%get3A_44, %get3A_45] : memref<1x128xf32, #tpu.memory_space<vmem>>, vector<1x128xf32>
    %add3A_47 = vector.broadcast %get3A_46 : vector<1x128xf32> to vector<1000x128xf32>
    %add3A_48 = arith.addf %add3A, %add3A_47 : vector<1000x128xf32>
    %max3A = arith.constant 0.000000e+00 : f32
    %max3A_49 = vector.broadcast %max3A : f32 to vector<1000x128xf32>
    %max3A_50 = arith.maximumf %add3A_48, %max3A_49 : vector<1000x128xf32>
    %iota3A_51 = tpu.iota {dimensions = array<i32: 1>} : vector<1x64xi32>
    %convert_element_type3A_52 = arith.sitofp %iota3A_51 : vector<1x64xi32> to vector<1x64xf32>
    %get3A_53 = arith.constant 0 : index
    %get3A_54 = arith.constant 0 : index
    %get3A_55 = vector.load %arg4[%get3A_53, %get3A_54] : memref<1000x1xf32, #tpu.memory_space<vmem>>, vector<1000x1xf32>
    %eq3A_56 = vector.broadcast %get3A_55 : vector<1000x1xf32> to vector<1000x64xf32>
    %eq3A_57 = vector.broadcast %convert_element_type3A_52 : vector<1x64xf32> to vector<1000x64xf32>
    %eq3A_58 = arith.cmpf oeq, %eq3A_56, %eq3A_57 : vector<1000x64xf32>
    %convert_element_type3A_59 = arith.extui %eq3A_58 : vector<1000x64xi1> to vector<1000x64xi32>
    %convert_element_type3A_60 = arith.sitofp %convert_element_type3A_59 : vector<1000x64xi32> to vector<1000x64xf32>
    %dot_general3A_61 = arith.constant dense<0.000000e+00> : vector<64x128xf32>
    %dot_general3A_62 = tpu.matmul %convert_element_type3A_60, %max3A_50, %dot_general3A_61 {dimension_numbers = #tpu.dot_dimension_numbers<[0], [0], [1], [1], [0, 1, 1, 1], [], []>, transpose_lhs_hint = false} : vector<1000x64xf32>, vector<1000x128xf32>, vector<64x128xf32> -> vector<64x128xf32>
    %broadcast_in_dim3A = arith.constant 1.000000e+00 : f32
    %broadcast_in_dim3A_63 = vector.broadcast %broadcast_in_dim3A : f32 to vector<1000x128xf32>
    %dot_general3A_64 = arith.constant dense<0.000000e+00> : vector<64x128xf32>
    %dot_general3A_65 = tpu.matmul %convert_element_type3A_60, %broadcast_in_dim3A_63, %dot_general3A_64 {dimension_numbers = #tpu.dot_dimension_numbers<[0], [0], [1], [1], [0, 1, 1, 1], [], []>, transpose_lhs_hint = false} : vector<1000x64xf32>, vector<1000x128xf32>, vector<64x128xf32> -> vector<64x128xf32>
    %eq3A_66 = arith.constant 0 : i32
    %eq3A_67 = arith.cmpi eq, %arg0, %eq3A_66 : i32
    %convert_element_type3A_68 = arith.extui %eq3A_67 : i1 to i32
    %cond3A = arith.constant 0 : i32
    %cond3A_69 = arith.cmpi ne, %convert_element_type3A_68, %cond3A : i32
    scf.if %cond3A_69 {
      %swap3A = arith.constant 0 : index
      %swap3A_79 = arith.constant 0 : index
      %swap3A_80 = vector.load %arg9[%swap3A, %swap3A_79] : memref<64x128xf32, #tpu.memory_space<vmem>>, vector<64x128xf32>
      tpu.vector_store %arg9[%swap3A, %swap3A_79], %dot_general3A_62 {strides = array<i32>} : memref<64x128xf32, #tpu.memory_space<vmem>>, vector<64x128xf32>,
      %swap3A_81 = arith.constant 0 : index
      %swap3A_82 = arith.constant 0 : index
      %swap3A_83 = vector.load %arg10[%swap3A_81, %swap3A_82] : memref<64x128xf32, #tpu.memory_space<vmem>>, vector<64x128xf32>
      tpu.vector_store %arg10[%swap3A_81, %swap3A_82], %dot_general3A_65 {strides = array<i32>} : memref<64x128xf32, #tpu.memory_space<vmem>>, vector<64x128xf32>,
    } else {
    }
    %gt3A = arith.constant 0 : i32
    %gt3A_70 = arith.cmpi sgt, %arg0, %gt3A : i32
    %convert_element_type3A_71 = arith.extui %gt3A_70 : i1 to i32
    %cond3A_72 = arith.constant 0 : i32
    %cond3A_73 = arith.cmpi ne, %convert_element_type3A_71, %cond3A_72 : i32
    scf.if %cond3A_73 {
      %get3A_79 = arith.constant 0 : index
      %get3A_80 = arith.constant 0 : index
      %get3A_81 = vector.load %arg9[%get3A_79, %get3A_80] : memref<64x128xf32, #tpu.memory_space<vmem>>, vector<64x128xf32>
      %add3A_82 = arith.addf %get3A_81, %dot_general3A_62 : vector<64x128xf32>
      %swap3A = arith.constant 0 : index
      %swap3A_83 = arith.constant 0 : index
      %swap3A_84 = vector.load %arg9[%swap3A, %swap3A_83] : memref<64x128xf32, #tpu.memory_space<vmem>>, vector<64x128xf32>
      tpu.vector_store %arg9[%swap3A, %swap3A_83], %add3A_82 {strides = array<i32>} : memref<64x128xf32, #tpu.memory_space<vmem>>, vector<64x128xf32>,
      %get3A_85 = arith.constant 0 : index
      %get3A_86 = arith.constant 0 : index
      %get3A_87 = vector.load %arg10[%get3A_85, %get3A_86] : memref<64x128xf32, #tpu.memory_space<vmem>>, vector<64x128xf32>
      %add3A_88 = arith.addf %get3A_87, %dot_general3A_65 : vector<64x128xf32>
      %swap3A_89 = arith.constant 0 : index
      %swap3A_90 = arith.constant 0 : index
      %swap3A_91 = vector.load %arg10[%swap3A_89, %swap3A_90] : memref<64x128xf32, #tpu.memory_space<vmem>>, vector<64x128xf32>
      tpu.vector_store %arg10[%swap3A_89, %swap3A_90], %add3A_88 {strides = array<i32>} : memref<64x128xf32, #tpu.memory_space<vmem>>, vector<64x128xf32>,
    } else {
    }
    %eq3A_74 = arith.constant 49 : i32
    %eq3A_75 = arith.cmpi eq, %arg0, %eq3A_74 : i32
    %convert_element_type3A_76 = arith.extui %eq3A_75 : i1 to i32
    %cond3A_77 = arith.constant 0 : i32
    %cond3A_78 = arith.cmpi ne, %convert_element_type3A_76, %cond3A_77 : i32
    scf.if %cond3A_78 {
      %get3A_79 = arith.constant 0 : index
      %get3A_80 = arith.constant 0 : index
      %get3A_81 = vector.load %arg9[%get3A_79, %get3A_80] : memref<64x128xf32, #tpu.memory_space<vmem>>, vector<64x128xf32>
      %get3A_82 = arith.constant 0 : index
      %get3A_83 = arith.constant 0 : index
      %get3A_84 = vector.load %arg10[%get3A_82, %get3A_83] : memref<64x128xf32, #tpu.memory_space<vmem>>, vector<64x128xf32>
      %max3A_85 = arith.constant 1.000000e+00 : f32
      %max3A_86 = vector.broadcast %max3A_85 : f32 to vector<64x128xf32>
      %max3A_87 = arith.maximumf %get3A_84, %max3A_86 : vector<64x128xf32>
      %div3A_88 = arith.divf %get3A_81, %max3A_87 : vector<64x128xf32>
      %swap3A = arith.constant 0 : index
      %swap3A_89 = arith.constant 0 : index
      %swap3A_90 = vector.load %arg8[%swap3A, %swap3A_89] : memref<64x128xf32, #tpu.memory_space<vmem>>, vector<64x128xf32>
      tpu.vector_store %arg8[%swap3A, %swap3A_89], %div3A_88 {strides = array<i32>} : memref<64x128xf32, #tpu.memory_space<vmem>>, vector<64x128xf32>,
    } else {
    }
    return
  }
  func.func @transform_0(%arg0: i32) -> (i32, i32) {
    %c0_i32 = arith.constant 0 : i32
    %c0_i32_0 = arith.constant 0 : i32
    return %arg0, %c0_i32 : i32, i32
  }
  func.func @transform_1(%arg0: i32) -> (i32, i32) {
    %c0_i32 = arith.constant 0 : i32
    %c0_i32_0 = arith.constant 0 : i32
    return %arg0, %c0_i32 : i32, i32
  }
  func.func @transform_2(%arg0: i32) -> (i32, i32) {
    %c0_i32 = arith.constant 0 : i32
    %c0_i32_0 = arith.constant 0 : i32
    return %arg0, %c0_i32 : i32, i32
  }
  func.func @transform_3(%arg0: i32) -> (i32, i32) {
    %c0_i32 = arith.constant 0 : i32
    %c0_i32_0 = arith.constant 0 : i32
    return %arg0, %c0_i32 : i32, i32
  }
  func.func @transform_4(%arg0: i32) -> (i32, i32) {
    %c0_i32 = arith.constant 0 : i32
    %c0_i32_0 = arith.constant 0 : i32
    %c0_i32_1 = arith.constant 0 : i32
    return %c0_i32, %c0_i32_0 : i32, i32
  }
  func.func @transform_5(%arg0: i32) -> (i32, i32) {
    %c0_i32 = arith.constant 0 : i32
    %c0_i32_0 = arith.constant 0 : i32
    %c0_i32_1 = arith.constant 0 : i32
    return %c0_i32, %c0_i32_0 : i32, i32
  }
  func.func @transform_6(%arg0: i32) -> (i32, i32) {
    %c0_i32 = arith.constant 0 : i32
    %c0_i32_0 = arith.constant 0 : i32
    %c0_i32_1 = arith.constant 0 : i32
    return %c0_i32, %c0_i32_0 : i32, i32
  }
  func.func @transform_7(%arg0: i32) -> (i32, i32) {
    %c0_i32 = arith.constant 0 : i32
    %c0_i32_0 = arith.constant 0 : i32
    %c0_i32_1 = arith.constant 0 : i32
    return %c0_i32, %c0_i32_0 : i32, i32
  }
}

</mosaic_0001>

<sc_bundles>
// kernel: kernel.6.cloned.1.call-start
scs
__scs_entry_jumppad:
0x0: {  	(pc) =	sbr.rel $0x88, $3  }
0x1: {  	(tag) =	ssettag $0x0;
	lr =	simm.s32 $0x1  }
0x2: {  	[smem:$0x3F97] =	sst lr;
	_ =	strace $0xD0000000  }
0x3: {  	_ = 	snop  }
0x4: {  	_ = 	snop  }
0x5: {  	_ = 	snop  }
0x6: {  	_ = 	snop  }
0x7: {  	_ = 	snop  }
__scs_overlays_trampoline_lowered:
0x8: {  	[smem:$0x3FA6] =	sst s0  }
0x9: {  	[smem:$0x3FA7] =	sst s1  }
0xa: {  	[smem:$0x3FA8] =	sst s2  }
0xb: {  	[smem:$0x3FA9] =	sst s3  }
0xc: {  	[smem:$0x3FAA] =	sst s4  }
0xd: {  	[smem:$0x3FAB] =	sst s5  }
0xe: {  	[smem:$0x3FAC] =	sst s6  }
0xf: {  	[smem:$0x3FAD] =	sst s7  }
0x10: {  	[smem:$0x3FAE] =	sst s8  }
0x11: {  	[smem:$0x3FAF] =	sst s9;
	s0 =	simm.s32 @!p0 $0x0  }
0x12: {  	s1 =	sld [smem:$0x3F95];
	s0 =	simm.s32 @p0 $0x1  }
0x13: {  	[smem:$0x3FB0] =	sst s0;
	s0 =	simm.s32 @!p1 $0x0  }
0x14: {  	s2 =	sld [smem:$0x3F94];
	s0 =	simm.s32 @p1 $0x1  }
0x15: {  	[smem:$0x3FB1] =	sst s0;
	s0 =	simm.s32 @!p2 $0x0  }
0x16: {  	s3 =	sld [smem:$0x3FDB];
	s0 =	simm.s32 @p2 $0x1  }
0x17: {  	s4 =	simm.s32 $0x1BF5;
	[smem:$0x3FB3] =	sst s0  }
0x18: {  	s0 =	sld [smem:$0x3F96];
	_ =	swait.ge [sflag:s4], $0x0  }
0x19: {  	s7 =	sld [smem:$0x3F97]  }
0x1a: {  	s8 =	sadd.s32 $0xFFFFE003, lr  }
0x1b: {  	s9 =	sadd.s32 $0xFFFFFEF7, lr;
	s5 =	simm.s32 $0xFFFFFFFF;
	p2 =	slt.u32 s8, $0xFFFFF086  }
0x1c: {  	p1 =	slt.u32 s9, $0xF7A;
	s5 =	simm.s32 @!p2 $0x0  }
0x1d: {  	s5 =	simm.s32 @p1 $0x1;
	p0 =	seq.s32 s7, s2  }
0x1e: {  	s7 =	smul.u32 @!p0 $0xF7A, s2;
	p2 =	seq.s32 @!p0 s5, $0x0  }
0x1f: {  	s9 =	smul.u32 $0xF7A, s1;
	s8 =	simm.s32 @!p0 $0x1BF5;
	p2 =	por !p2, p0  }
0x20: {  	[sflag:s8] =	ssyncset.s32 @!p0 $0xFFFFF086;
	s6 =	sadd.s32 @!p0 s3, s7;
	s7 =	simm.s32 @!p0 $0x108  }
0x21: {  	s3 =	sadd.s32 s3, s9;
	s6 =	sadd.s32 @!p0 $0x88, s6;
	s7 =	simm.s32 @p2 $0x1082  }
0x22: {  	[simem:s7], [sflag:s8] =	dma.local @!p0 [hbm:s6], $0xF7A  }
0x23: {  	s9 =	sor.u32 $0xD0000000, s2;
	s6 =	simm.s32 $0x108;
	_ =	swait.ge @!p0 [sflag:s8], $0x0  }
0x24: {  	s3 =	sadd.s32 $0x88, s3;
	s6 =	simm.s32 @!p1 $0x1082;
	[sflag:s4] =	ssyncset.s32 $0xFFFFF086  }
0x25: {  	[simem:s6], [sflag:s4] =	dma.local [hbm:s3], $0xF7A  }
0x26: {  	[smem:$0x3F97] =	sst s1;
	(tag) =	ssettag s2;
	_ =	strace s9  }
0x27: {  	s1 =	sld [smem:$0x3FA7]  }
0x28: {  	s2 =	sld [smem:$0x3FA8]  }
0x29: {  	s4 =	sld [smem:$0x3FAA]  }
0x2a: {  	p0 =	seq.s32 s5, $0x0;
	s5 =	sld [smem:$0x3FAB]  }
0x2b: {  	s6 =	sld [smem:$0x3FAC]  }
0x2c: {  	s7 =	sld [smem:$0x3FAD]  }
0x2d: {  	s3 =	simm.s32 $0x108;
	s8 =	sld [smem:$0x3FAE]  }
0x2e: {  	s3 =	simm.s32 @!p0 $0x1082;
	s9 =	sld [smem:$0x3FAF]  }
0x2f: {  	lr =	sadd.s32 s0, s3;
	s0 =	sld [smem:$0x3FA6]  }
0x30: {  	s3 =	sld [smem:$0x3FA9]  }
0x31: {  	[smem:$0x3FB2] =	sst s10  }
0x32: {  	s10 =	sld [smem:$0x3FB0];
	_ =	sdelay $0x3  }
0x33: {  	p0 =	seq.s32 s10, $0x1;
	s10 =	sld [smem:$0x3FB2];
	_ =	sdelay $0x3  }
0x34: {  	[smem:$0x3FB2] =	sst s10  }
0x35: {  	s10 =	sld [smem:$0x3FB1];
	_ =	sdelay $0x3  }
0x36: {  	p1 =	seq.s32 s10, $0x1;
	s10 =	sld [smem:$0x3FB2];
	_ =	sdelay $0x3  }
0x37: {  	[smem:$0x3FB2] =	sst s10  }
0x38: {  	s10 =	sld [smem:$0x3FB3]  }
0x39: {  	_ = 	snop;
	(pc) =	sbr.ind lr, $3  }
0x3a: {  	_ = 	snop  }
0x3b: {  	_ = 	snop  }
0x3c: {  	p2 =	seq.s32 s10, $0x1;
	s10 =	sld [smem:$0x3FB2]  }
0x3d: {  	_ =	shalt  }
0x3e: {  	_ =	shalt  }
0x3f: {  	_ =	shalt  }
0x40: {  	_ =	shalt  }
0x41: {  	_ =	shalt  }
0x42: {  	_ =	shalt  }
0x43: {  	_ =	shalt  }
0x44: {  	_ =	shalt  }
0x45: {  	_ =	shalt  }
0x46: {  	_ =	shalt  }
0x47: {  	_ =	shalt  }
0x48: {  	_ =	shalt  }
0x49: {  	_ =	shalt  }
0x4a: {  	_ =	shalt  }
0x4b: {  	_ =	shalt  }
0x4c: {  	_ =	shalt  }
0x4d: {  	_ =	shalt  }
0x4e: {  	_ =	shalt  }
0x4f: {  	_ =	shalt  }
0x50: {  	_ =	shalt  }
0x51: {  	_ =	shalt  }
0x52: {  	_ =	shalt  }
0x53: {  	_ =	shalt  }
0x54: {  	_ =	shalt  }
0x55: {  	_ =	shalt  }
0x56: {  	_ =	shalt  }
0x57: {  	_ =	shalt  }
0x58: {  	_ =	shalt  }
0x59: {  	_ =	shalt  }
0x5a: {  	_ =	shalt  }
0x5b: {  	_ =	shalt  }
0x5c: {  	_ =	shalt  }
0x5d: {  	_ =	shalt  }
0x5e: {  	_ =	shalt  }
0x5f: {  	_ =	shalt  }
0x60: {  	_ =	shalt  }
0x61: {  	_ =	shalt  }
0x62: {  	_ =	shalt  }
0x63: {  	_ =	shalt  }
0x64: {  	_ =	shalt  }
0x65: {  	_ =	shalt  }
0x66: {  	_ =	shalt  }
0x67: {  	_ =	shalt  }
0x68: {  	_ =	shalt  }
0x69: {  	_ =	shalt  }
0x6a: {  	_ =	shalt  }
0x6b: {  	_ =	shalt  }
0x6c: {  	_ =	shalt  }
0x6d: {  	_ =	shalt  }
0x6e: {  	_ =	shalt  }
0x6f: {  	_ =	shalt  }
0x70: {  	_ =	shalt  }
0x71: {  	_ =	shalt  }
0x72: {  	_ =	shalt  }
0x73: {  	_ =	shalt  }
0x74: {  	_ =	shalt  }
0x75: {  	_ =	shalt  }
0x76: {  	_ =	shalt  }
0x77: {  	_ =	shalt  }
0x78: {  	_ =	shalt  }
0x79: {  	_ =	shalt  }
0x7a: {  	_ =	shalt  }
0x7b: {  	_ =	shalt  }
0x7c: {  	_ =	shalt  }
0x7d: {  	_ =	shalt  }
0x7e: {  	_ =	shalt  }
0x7f: {  	_ =	shalt  }
0x80: {  	_ =	shalt  }
0x81: {  	_ =	shalt  }
0x82: {  	_ =	shalt  }
0x83: {  	_ =	shalt  }
0x84: {  	_ =	shalt  }
0x85: {  	_ =	shalt  }
0x86: {  	_ =	shalt  }
0x87: {  	_ =	shalt  }
.Lfunc_end0:
.L_simem_size_0:
called_computation_lowered:
.L_overlay_start_0:
0x88: {  	s2 =	sld [smem:$0x3FD9]  }
0x89: {  	s3 =	sld [smem:$0x3FFE];
	_ =	sdelay $0x1  }
0x8a: {  	s1 =	srdreg.scid  }
0x8b: {  	s0 =	sand.u32 $0x1, s1  }
0x8c: {  	s17 =	sshll.u32 s0, $0xA;
	s2 =	sadd.s32 s3, s2  }
0x8d: {  	s2 =	sadd.s32 s2, s17  }
0x8e: {  	[smem:$0x3FBE] =	sst s2  }
0x8f: {  	_ = 	snop  }
0x90: {  	s2 =	sld [smem:$0x3FC7];
	(tm) =	ssettm $0x1  }
0x91: {  	s18 =	sld [smem:$0x3FFB];
	_ =	sdelay $0x3  }
0x92: {  	_ =	strace s18  }
0x93: {  	s3 =	sld [smem:$0x3FFC];
	_ =	sdelay $0x3  }
0x94: {  	_ =	strace s3  }
0x95: {  	s3 =	sld [smem:$0x3FFD];
	_ =	sdelay $0x3  }
0x96: {  	_ =	strace s3  }
0x97: {  	_ =	strace $0x8FFFFFFF  }
0x98: {  	s19 =	sld [smem:$0x3FDB];
	_ =	sdelay $0x1  }
0x99: {  	s4 =	simm.s32 $_scs_section_size  }
0x9a: {  	s5 =	simm.s32 $_size__tile_overlayer_lowered;
	s6 =	simm.s32 $_tile_overlayer_lowered  }
0x9b: {  	s22 =	simm.s32 $0x1BFF;
	s21 =	sshll.u32 s6, $0x1;
	s3 =	sadd.s32 s4, s19  }
0x9c: {  	s7 =	simm.s32 $0x0;
	s20 =	sshll.u32 s5, $0x1;
	s5 =	sadd.s32 s21, s3  }
0x9d: {  	[timem:s7], [sflag:s22] =	dma.local [hbm:s5], s20  }
0x9e: {  	_ =	swait.ge [sflag:s22], s20  }
0x9f: {  	s4 =	ssub.s32 $0x0, s20;
	[sflag:s22] =	ssyncset.done $0x0  }
0xa0: {  	[sflag:s22] =	ssyncadd.s32 s4;
	_ =	sdelay $0x1  }
0xa1: {  	s23 =	simm.s32 $0x1B8B  }
0xa2: {  	_ =	swait.ge [sflag:s23], $0x1  }
0xa3: {  	[sflag:s23] =	ssyncset.done $0x0  }
0xa4: {  	s25 =	simm.s32 $0x1B8E;
	s24 =	sld [smem:$0x3FFE];
	[sflag:s23] =	ssyncadd.s32 $0xFFFFFFFF  }
0xa5: {  	s26 =	simm.s32 $execute0_lowered;
	[smem:$0x3FD2] =	sst s25  }
0xa6: {  	s5 =	sshll.u32 s26, $0x1;
	_ =	strace $0x80000046;
	[dreg:$0x1] =	wrdreg $0xFFFFFFFF  }
0xa7: {  	s28 =	simm.s32 $_size_execute0_lowered;
	s3 =	sadd.s32 s3, s5;
	[dreg:$0x0] =	wrdreg $0x0  }
0xa8: {  	s5 =	sshll.u32 s28, $0x1;
	[dreg:$0x2] =	wrdreg s3  }
0xa9: {  	[dreg:$0x3] =	wrdreg s5  }
0xaa: {  	[dreg:$0x4] =	wrdreg $0xC0  }
0xab: {  	_ =	task [dreg:s7], $0x5FFFF  }
0xac: {  	[dreg:$0x1] =	wrdreg $0xFFFFFFFF  }
0xad: {  	[dreg:$0x0] =	wrdreg $0x60  }
0xae: {  	[dreg:$0x2] =	wrdreg s24  }
0xaf: {  	[dreg:$0x3] =	wrdreg s2  }
0xb0: {  	[dreg:$0x4] =	wrdreg $0x39400  }
0xb1: {  	[dreg:$0x5] =	wrdreg $0x9  }
0xb2: {  	_ =	task.clear_ibuf [dreg:s7], $0x6FFFF;
	_ =	strace $0x90000046  }
0xb3: {  	s29 =	simm.s32 $0x9;
	_ =	strace $0x80000048  }
0xb4: {  	_ =	swait.ge [sflag:s29], $0x1  }
0xb5: {  	[sflag:s29] =	ssyncadd.s32 $0xFFFFFFFF  }
0xb6: {  	_ =	strace $0x90000048  }
0xb7: {  	_ =	sfence  }
0xb8: {  	s30 =	sld [smem:$0x0];
	_ =	sdelay $0x2  }
0xb9: {  	s31 =	sshll.u32 s1, $0xD;
	s1 =	sshrl.u32 s1, $0x2  }
0xba: {  	s3 =	sand.u32 $0x4000, s31;
	s1 =	sadd.s32 s1, s30  }
0xbb: {  	s0 =	sor.u32 s3, s0;
	s1 =	sshll.u32 s1, $0x11  }
0xbc: {  	s0 =	sor.u32 s1, s0  }
0xbd: {  	s0 =	sadd.s32 $0x8F2B, s0  }
0xbe: {  	[sflag:s0] =	ssyncadd.remote.s32 $0x1  }
0xbf: {  	_ =	sfence.sel $0xFFFF  }
0xc0: {  	[dreg:$0x0] =	wrdreg $0xFFFFFFFF;
	(pc) =	sbr.abs _section_cstart, $3  }
0xc1: {  	[dreg:$0x1] =	wrdreg $0xFFFFFFFF  }
0xc2: {  	_ =	task.clear_ibuf [dreg:s7], $0x2FFFF;
	_ =	strace $0x9FFFFFFF  }
0xc3: {  	(tm) =	ssettm $0x7FFFFFFF  }
tec
execute0_lowered:
.L_overlay_start_1:
0x0: {  	(tag) =	ssettag $0x1  }
0x1: {  	s8 =	rddreg [dreg:$0x0]  }
0x2: {  	s1 =	rddreg [dreg:$0x1]  }
0x3: {  	s2 =	rddreg [dreg:$0x2]  }
0x4: {  	s0 =	rddreg [dreg:$0x3]  }
0x5: {  	s3 =	simm.s32 $0x0;
	s4 =	srdreg.scid;
	s15 =	simm.s32 $0xFA0  }
0x6: {  	s16 =	simm.s32 $0x1770;
	s17 =	simm.s32 $0x2040;
	s18 =	simm.s32 $0x1  }
0x7: {  	s19 =	simm.s32 $0x80;
	s20 =	simm.s32 $0x2940;
	s21 =	simm.s32 $0x0  }
0x8: {  	[smem:$0x7FF] =	sst s3;
	s7 =	sand.u32 $0x1, s4;
	s5 =	sadd.s32 $0x19C00, s8  }
0x9: {  	v3 =	vlaneseq.u32;
	s4 =	stileid.u32;
	s6 =	sadd.s32 $0x1400, s8;
	s9 =	smul.u32 $0x31000, s7  }
0xa: {  	v1 =	vimm.f32 $0.0e+00;
	v2 =	vimm.s32 $0x1;
	v4 =	vor.u32 $0x18800, v3;
	_ =	strace $0x80000047;
	s10 =	smul.u32 $0xFFFF9E00, s7;
	s11 =	ssub.s32 $0x2, s7  }
0xb: {  	v5 =	vor.u32 $0x10, v3;
	v6 =	vor.u32 $0x18810, v3;
	v7 =	vor.u32 $0x20, v3;
	s12 =	smul.u32 $0x62000, s4;
	s7 =	sadd.s32 $0xF5A00, s8;
	s13 =	sshrl.u32 s11, $0x1  }
0xc: {  	v8 =	vor.u32 $0x18820, v3;
	v9 =	vor.u32 $0x30, v3;
	v10 =	vor.u32 $0x18830, v3;
	s29 =	smul.u32 $0x3100, s4;
	s14 =	sadd.s32 s9, s8;
	s11 =	ssub.s32 s11, s13  }
0xd: {  	v11 =	vor.u32 $0x40, v3;
	v12 =	vor.u32 $0x18840, v3;
	v13 =	vor.u32 $0x50, v3;
	s30 =	sshrl.u32 s12, $0x2;
	s9 =	smul.u32 $0xC350, s4;
	s12 =	simm.s32 $0x3140  }
0xe: {  	v14 =	vor.u32 $0x18850, v3;
	v15 =	vor.u32 $0x60, v3;
	v16 =	vor.u32 $0x18860, v3;
	s13 =	simm.s32 $0x2;
	s8 =	sadd.s32 s30, s2;
	s31 =	sadd.s32 s29, s14  }
0xf: {  	v17 =	vor.u32 $0x70, v3;
	v18 =	vor.u32 $0x18870, v3;
	v0 =	vmov s10;
	s10 =	smax.u32 s11, $0x1;
	s14 =	simm.s32 $0x7D0;
	s11 =	sadd.s32 $0x10E200, s31  }
.LBB2_1:
0x10: {  	s22 =	simm.s32 $0x0  }
.LBB2_2:
0x11: {  	p0 =	sne.s32 s22, $0x1FC0  }
.Ltmp0:
0x12: {  	_ = 	snop;
	(pc) =	sbr.rel @p0 .LBB2_2-.Ltmp0, $3  }
0x13: {  	_ =	sdelay $0x1  }
0x14: {  	s23 =	sshra.s32 s22, $0x2  }
0x15: {  	s22 =	sadd.s32 $0x40, s22;
	[tilespmem:s23+$0x3140] =	vst v1  }
0x16: {  	s22 =	sadd.s32 $0x0, s8  }
0x17: {  	[spmem:s22] =	stream.linear.scatter [tilespmem:s12], [sflag:$0x2], $0x800, $0x38;
	[tilespmem:$0x1C1C0] =	vst v63  }
0x18: {  	s22 =	simm.s32 $0x2000;
	_ =	swait.ge [sflag:s13], $0x800  }
.LBB2_4:
0x19: {  	s23 =	sshra.s32 s22, $0x2;
	[sflag:s13] =	ssyncset.done $0x0;
	p0 =	sne.s32 s22, $0x60000  }
.Ltmp1:
0x1a: {  	s23 =	sadd.s32 s23, s8;
	[sflag:s13] =	ssyncadd.s32 $0xFFFFF800;
	(pc) =	sbr.rel @p0 .LBB2_4-.Ltmp1, $3  }
0x1b: {  	[spmem:s23] =	stream.linear.scatter [tilespmem:s12], [sflag:$0x2], $0x800, $0x38;
	[tilespmem:$0x1C1C0] =	vst v63  }
0x1c: {  	s22 =	sadd.s32 $0x2000, s22;
	_ =	sdelay $0x1  }
0x1d: {  	_ =	swait.ge [sflag:s13], $0x800  }
.Ltmp2:
0x1e: {  	(pc) =	sbr.rel .LBB2_6-.Ltmp2, $4  }
0x1f: {  	[sflag:s13] =	ssyncset.done $0x0  }
0x20: {  	[sflag:s13] =	ssyncadd.s32 $0xFFFFF800  }
0x21: {  	[bflag:$0x0] =	sbarrier.arrive $0xFFFF  }
0x22: {  	s22 =	simm.s32 $0x0;
	s23 =	simm.s32 $0x0  }
.LBB2_11:
0x23: {  	[sflag:s13] =	ssyncadd.s32 $0xFFFFF800  }
.LBB2_12:
0x24: {  	s23 =	sadd.s32 $0x1, s23  }
0x25: {  	p0 =	sne.s32 s23, $0x19  }
.Ltmp3:
0x26: {  	_ = 	snop;
	(pc) =	sbr.rel @!p0 .LBB2_13-.Ltmp3, $1  }
0x27: {  	_ =	sdelay $0x3  }
.LBB2_6:
0x28: {  	s24 =	smul.u32 $0x7D0, s23;
	_ =	sdelay $0x1  }
0x29: {  	s24 =	sadd.s32 s9, s24  }
0x2a: {  	s24 =	sshrl.u32 s24, $0x3  }
0x2b: {  	s25 =	sadd.s32 s5, s24  }
0x2c: {  	[tilespmem:s22], [sflag:$0x2] =	stream.linear.gather [hbm4b:s25+s22], $0x7D0, $0x38;
	[tilespmem:$0x1C1C0] =	vst v63  }
0x2d: {  	_ =	swait.ge [sflag:s13], $0x7D0  }
0x2e: {  	[sflag:s13] =	ssyncset.done $0x0  }
0x2f: {  	s30 =	sadd.s32 s6, s24;
	[sflag:s13] =	ssyncadd.s32 $0xFFFFF830  }
0x30: {  	[tilespmem:s14], [sflag:$0x2] =	stream.linear.gather [hbm4b:s30+s22], $0x7D0, $0x38;
	[tilespmem:$0x1C1C0] =	vst v63  }
0x31: {  	_ =	swait.ge [sflag:s13], $0x7D0  }
0x32: {  	[sflag:s13] =	ssyncset.done $0x0  }
0x33: {  	s24 =	sadd.s32 s1, s24;
	[sflag:s13] =	ssyncadd.s32 $0xFFFFF830  }
0x34: {  	[tilespmem:s15], [sflag:$0x2] =	stream.linear.gather [hbm4b:s24+s22], $0x7D0, $0x38;
	[tilespmem:$0x1C1C0] =	vst v63  }
0x35: {  	_ =	swait.ge [sflag:s13], $0x7D0  }
0x36: {  	[sflag:s13] =	ssyncset.done $0x0  }
0x37: {  	s31 =	simm.s32 $0x0;
	[sflag:s13] =	ssyncadd.s32 $0xFFFFF830  }
0x38: {  	v19 =	vld [tilespmem:s31+$0x7D0];
	_ =	sdelay $0x4  }
0x39: {  	v19 =	vadd.s32 v0, v19  }
0x3a: {  	vm0 =	vlt.u32 v19, $0x6200  }
0x3b: {  	v20 =	vmpcnt.ones.xlane vm0;
	_ =	sdelay $0x1  }
0x3c: {  	(xrf0) =	vadd.scan.msk.s32 vm0, v2;
	v20 =	vxor.u32 $0x80000000, v20  }
0x3d: {  	(xrf0) =	vmax.scan.msk.u32 $0xffff, v20;
	_ =	sdelay $0x1  }
0x3e: {  	v21 =	vmov s22  }
0x3f: {  	v21 =	vadd.s32 $0xFFFFFFFF, v21  }
0x40: {  	v21 =	vbroadcast v21, $0x0  }
0x41: {  	v22 =	vld [tilespmem:s31+$0x0];
	v20, _, _ =	vpop (xrf0)  }
0x42: {  	v23 =	vld [tilespmem:s31+$0xFA0];
	v20 =	vadd.s32 v20, v21;
	v63, _, _ =	vpop (xrf0)  }
0x43: {  	(v2sf) =	vpush v63, $0xF;
	_ =	sdelay $0x2  }
0x44: {  	v19 =	vshll.u32 v19, $0x2  }
0x45: {  	v19 =	vadd.s32 v23, v19;
	[tilespmem:v20+s16+$0x0] =	vst.idx.msk vm0, v22  }
0x46: {  	s26 =	simm.s32 $0x80;
	s25 =	simm.s32 $0x0;
	s24 =	simm.s32 $0x10;
	[tilespmem:v20+s17+$0x0] =	vst.idx.msk vm0, v19  }
.LBB2_7:
0x47: {  	p0 =	sne.s32 s26, $0x1F00;
	v19 =	vld [tilespmem:s24+$0x7D0];
	_ =	sdelay $0x4  }
0x48: {  	v19 =	vadd.s32 v0, v19  }
0x49: {  	vm0 =	vlt.u32 v19, $0x6200;
	v19 =	vshll.u32 v19, $0x2  }
0x4a: {  	v20 =	vmpcnt.ones.xlane vm0;
	(xrf0) =	vadd.scan.msk.s32 vm0, v2;
	_ =	sdelay $0x1  }
0x4b: {  	v20 =	vxor.u32 $0x80000000, v20;
	s28 =	spop (v2sf)  }
0x4c: {  	(xrf0) =	vmax.scan.msk.u32 $0xffff, v20;
	s25 =	sadd.s32 s28, s25  }
0x4d: {  	s25 =	sadd.s32 $0x80000000, s25  }
0x4e: {  	v20 =	vmov s25  }
0x4f: {  	v20 =	vadd.s32 $0xFFFFFFFF, v20;
	v21, _, _ =	vpop (xrf0)  }
0x50: {  	v20 =	vbroadcast v20, $0x0  }
0x51: {  	v22 =	vld [tilespmem:s24+$0x0]  }
0x52: {  	v23 =	vld [tilespmem:s24+$0xFA0];
	v20 =	vadd.s32 v21, v20;
	v21, _, _ =	vpop (xrf0)  }
0x53: {  	(v2sf) =	vpush v21, $0xF  }
.Ltmp4:
0x54: {  	(pc) =	sbr.rel @p0 .LBB2_7-.Ltmp4, $3  }
0x55: {  	_ =	sdelay $0x1  }
0x56: {  	v19 =	vadd.s32 v23, v19;
	[tilespmem:v20+s16+$0x0] =	vst.idx.msk vm0, v22  }
0x57: {  	s24 =	sshra.s32 s26, $0x2;
	s26 =	sadd.s32 $0x40, s26;
	[tilespmem:v20+s17+$0x0] =	vst.idx.msk vm0, v19  }
0x58: {  	v19 =	vld [tilespmem:s24+$0x7D0];
	_ =	sdelay $0x4  }
0x59: {  	v19 =	vadd.s32 v0, v19  }
0x5a: {  	vm0 =	vlt.u32 v19, $0x6200  }
0x5b: {  	v20 =	vmpcnt.ones.xlane vm0;
	_ =	sdelay $0x1  }
0x5c: {  	(xrf0) =	vadd.scan.msk.s32 vm0, v2;
	v20 =	vxor.u32 $0x80000000, v20  }
0x5d: {  	(xrf0) =	vmax.scan.msk.u32 $0xffff, v20;
	_ =	sdelay $0x4  }
0x5e: {  	v20, _, _ =	vpop (xrf0)  }
0x5f: {  	v21, _, _ =	vpop (xrf0)  }
0x60: {  	(v2sf) =	vpush v21, $0xF;
	_ =	sdelay $0x8  }
0x61: {  	s26 =	spop (v2sf)  }
0x62: {  	s25 =	sadd.s32 s26, s25  }
0x63: {  	s25 =	sadd.s32 $0x80000000, s25  }
0x64: {  	v60 =	vmov s25  }
0x65: {  	v21 =	vadd.s32 $0xFFFFFFFF, v60  }
0x66: {  	v21 =	vbroadcast v21, $0x0  }
0x67: {  	v22 =	vld [tilespmem:s24+$0x0];
	s31 =	spop (v2sf)  }
0x68: {  	v23 =	vld [tilespmem:s24+$0xFA0];
	v20 =	vadd.s32 v20, v21;
	s28 =	sadd.s32 s31, s25  }
0x69: {  	s26 =	sadd.s32 $0x80000000, s28  }
0x6a: {  	v61 =	vadd.s32 s26, v3  }
0x6b: {  	s24 =	sadd.s32 $0x10, s26  }
0x6c: {  	v19 =	vshll.u32 v19, $0x2;
	v24 =	vadd.s32 s24, v3  }
0x6d: {  	v19 =	vadd.s32 v23, v19;
	[tilespmem:v20+s16+$0x0] =	vst.idx.msk vm0, v22;
	s29 =	sadd.s32 $0x20, s26  }
0x6e: {  	[tilespmem:v20+s17+$0x0] =	vst.idx.msk vm0, v19;
	s24 =	simm.s32 $0x1770;
	v19 =	vadd.s32 s29, v3  }
0x6f: {  	s25 =	simm.s32 $0x2040;
	s28 =	sadd.s32 $0x30, s26;
	[tilespmem:v61+s24+$0x0] =	vst.idx.msk $0xffff, v3  }
0x70: {  	v20 =	vadd.s32 s28, v3;
	[tilespmem:v61+s25+$0x0] =	vst.idx.msk $0xffff, v4  }
0x71: {  	[tilespmem:v24+s24+$0x0] =	vst.idx.msk $0xffff, v5  }
0x72: {  	[tilespmem:v24+s25+$0x0] =	vst.idx.msk $0xffff, v6  }
0x73: {  	[tilespmem:v19+s24+$0x0] =	vst.idx.msk $0xffff, v7  }
0x74: {  	s30 =	sadd.s32 $0x40, s26;
	[tilespmem:v19+s25+$0x0] =	vst.idx.msk $0xffff, v8  }
0x75: {  	v62 =	vadd.s32 s30, v3;
	s29 =	sadd.s32 $0x60, s26;
	s30 =	sadd.s32 $0x7F, s26;
	[tilespmem:v20+s24+$0x0] =	vst.idx.msk $0xffff, v9  }
0x76: {  	s31 =	sadd.s32 $0x50, s26;
	s26 =	sadd.s32 $0x70, s26;
	[tilespmem:v20+s25+$0x0] =	vst.idx.msk $0xffff, v10;
	v20 =	vadd.s32 s29, v3;
	s29 =	sand.u32 $0x7F, s30  }
0x77: {  	p1 =	slt.s32 s30, $0x1;
	v19 =	vadd.s32 s31, v3;
	s31 =	sshra.s32 s30, $0x1F;
	p0 =	sne.s32 s29, $0x0  }
0x78: {  	v63 =	vadd.s32 s26, v3;
	s26 =	sshrl.u32 s31, $0x19;
	p0 =	por !p1, !p0  }
0x79: {  	s28 =	simm.s32 $0x1;
	s26 =	sadd.s32 s26, s30;
	p0 =	por !p0, !p0  }
0x7a: {  	[tilespmem:v62+s24+$0x0] =	vst.idx.msk $0xffff, v11;
	s26 =	sshra.s32 s26, $0x7;
	s28 =	simm.s32 @!p0 $0x0  }
0x7b: {  	[tilespmem:v62+s25+$0x0] =	vst.idx.msk $0xffff, v12;
	s26 =	ssub.s32 s26, s28  }
0x7c: {  	[tilespmem:v19+s24+$0x0] =	vst.idx.msk $0xffff, v13;
	p0 =	slt.s32 s26, $0x1  }
.Ltmp5:
0x7d: {  	[tilespmem:v19+s25+$0x0] =	vst.idx.msk $0xffff, v14;
	(pc) =	sbr.rel @p0 .LBB2_12-.Ltmp5, $4  }
0x7e: {  	[tilespmem:v20+s24+$0x0] =	vst.idx.msk $0xffff, v15  }
0x7f: {  	[tilespmem:v20+s25+$0x0] =	vst.idx.msk $0xffff, v16  }
0x80: {  	[tilespmem:v63+s24+$0x0] =	vst.idx.msk $0xffff, v17  }
0x81: {  	[tilespmem:v63+s25+$0x0] =	vst.idx.msk $0xffff, v18  }
0x82: {  	[tilespmem:s20], [sflag:$0x1] =	stream.indirect.gather [hbm4b:s7+s19], $0x10, s24, s19, $0xb8;
	[tilespmem:$0x1C1C0] =	vst v63  }
0x83: {  	p0 =	sne.s32 s26, $0x1;
	_ =	swait.ge [sflag:s18], $0x800  }
.Ltmp6:
0x84: {  	[sflag:s18] =	ssyncset.done $0x0;
	(pc) =	sbr.rel @!p0 .LBB2_11-.Ltmp6, $4  }
0x85: {  	[sflag:s18] =	ssyncadd.s32 $0xFFFFF800  }
0x86: {  	[spmem:s2] =	stream.indirect.scatter.add.f32 [tilespmem:s20], [sflag:$0x2], $0x10, s25, s19, $0xb8;
	[tilespmem:$0x1C1C0] =	vst v63  }
0x87: {  	_ =	swait.ge [sflag:s13], $0x800  }
0x88: {  	s26 =	sadd.s32 $0xFFFFFFFF, s26;
	[sflag:s13] =	ssyncset.done $0x0  }
.LBB2_10:
0x89: {  	[sflag:s13] =	ssyncadd.s32 $0xFFFFF800;
	s24 =	sadd.s32 $0x80, s24;
	s25 =	sadd.s32 $0x80, s25  }
0x8a: {  	[tilespmem:s20], [sflag:$0x1] =	stream.indirect.gather [hbm4b:s7+s19], $0x10, s24, s19, $0xb8;
	[tilespmem:$0x1C1C0] =	vst v63  }
0x8b: {  	p0 =	sne.s32 s26, $0x1;
	s26 =	sadd.s32 $0xFFFFFFFF, s26;
	_ =	swait.ge [sflag:s18], $0x800  }
.Ltmp7:
0x8c: {  	[sflag:s18] =	ssyncset.done $0x0;
	(pc) =	sbr.rel @p0 .LBB2_10-.Ltmp7, $4  }
0x8d: {  	[sflag:s18] =	ssyncadd.s32 $0xFFFFF800  }
0x8e: {  	[spmem:s2] =	stream.indirect.scatter.add.f32 [tilespmem:s20], [sflag:$0x2], $0x10, s25, s19, $0xb8;
	[tilespmem:$0x1C1C0] =	vst v63  }
0x8f: {  	_ =	swait.ge [sflag:s13], $0x800  }
0x90: {  	[sflag:s13] =	ssyncset.done $0x0  }
.Ltmp8:
0x91: {  	_ = 	snop;
	(pc) =	sbr.rel .LBB2_11-.Ltmp8, $1  }
0x92: {  	_ =	sdelay $0x3  }
.LBB2_13:
0x93: {  	[bflag:$0x0] =	sbarrier.arrive $0xFFFF  }
0x94: {  	[tilespmem:s20], [sflag:$0x2] =	stream.linear.gather [spmem:s8], $0x800, $0x38;
	[tilespmem:$0x1C1C0] =	vst v63  }
0x95: {  	_ =	swait.ge [sflag:s13], $0x800  }
0x96: {  	[sflag:s13] =	ssyncset.done $0x0  }
0x97: {  	s22 =	sadd.s32 $0x0, s11;
	[sflag:s13] =	ssyncadd.s32 $0xFFFFF800  }
0x98: {  	[hbm4b:s22+s3] =	stream.linear.scatter [tilespmem:s20], [sflag:$0x2], $0x800, $0x38;
	[tilespmem:$0x1C1C0] =	vst v63  }
0x99: {  	_ =	swait.ge [sflag:s13], $0x800  }
0x9a: {  	s23 =	smov.u32 s8;
	s22 =	simm.s32 $0x100;
	[sflag:s13] =	ssyncset.done $0x0  }
.LBB2_14:
0x9b: {  	p0 =	sne.s32 s22, $0x3000;
	[sflag:s13] =	ssyncadd.s32 $0xFFFFF800;
	s23 =	sadd.s32 $0x800, s23  }
0x9c: {  	[tilespmem:s20], [sflag:$0x2] =	stream.linear.gather [spmem:s23], $0x800, $0x38;
	[tilespmem:$0x1C1C0] =	vst v63  }
0x9d: {  	s24 =	smov.u32 s22;
	s22 =	sadd.s32 $0x100, s22;
	_ =	swait.ge [sflag:s13], $0x800  }
.Ltmp9:
0x9e: {  	[sflag:s13] =	ssyncset.done $0x0;
	(pc) =	sbr.rel @p0 .LBB2_14-.Ltmp9, $4  }
0x9f: {  	s24 =	sadd.s32 s24, s11;
	[sflag:s13] =	ssyncadd.s32 $0xFFFFF800  }
0xa0: {  	[hbm4b:s24+s3] =	stream.linear.scatter [tilespmem:s20], [sflag:$0x2], $0x800, $0x38;
	[tilespmem:$0x1C1C0] =	vst v63  }
0xa1: {  	_ =	swait.ge [sflag:s13], $0x800  }
0xa2: {  	[sflag:s13] =	ssyncset.done $0x0  }
0xa3: {  	s21 =	sadd.s32 $0x1, s21  }
0xa4: {  	p0 =	sne.s32 s21, s10  }
.Ltmp10:
0xa5: {  	_ = 	snop;
	(pc) =	sbr.rel @p0 .LBB2_1-.Ltmp10, $3  }
0xa6: {  	_ = 	snop  }
0xa7: {  	[sflag:s13] =	ssyncadd.s32 $0xFFFFF800  }
0xa8: {  	[bflag:$0x0] =	sbarrier.arrive $0xFFFF;
	_ =	sdelay $0x1  }
0xa9: {  	_ =	sfence.sel $0x180000  }
0xaa: {  	[bflag:$0x0] =	sbarrier.arrive $0xFFFF  }
0xab: {  	p0 =	sne.s32 s4, $0x0;
	_ =	strace $0x90000047  }
0xac: {  	s0 =	sadd.s32 @!p0 $0x100000, s0;
	[bflag:$0x2] =	sbarrier.arrive $0xFFFF  }
0xad: {  	[sflag:s0] =	ssyncadd.tile.s32 @!p0 $0x1;
	_ =	shalt  }
.Lfunc_end2:
_tile_overlayer_lowered:
.L_overlay_start_2:
0xae: {  	(tag) =	ssettag $0x2  }
0xaf: {  	s0 =	rddreg [dreg:$0x0];
	s2 =	stileid.u32  }
0xb0: {  	s1 =	rddreg [dreg:$0x1];
	p0 =	sne.s32 s2, $0x0  }
0xb1: {  	s3 =	rddreg [dreg:$0x2];
	[bflag:$0x3] =	sbarrier.arrive $0xFFFF;
	s2 =	simm.s32 @!p0 $0x1C02  }
0xb2: {  	[timem:s3], [sflag:s2] =	dma.local @!p0 [hbm:s0], s1  }
0xb3: {  	s0 =	simm.s32 @!p0 $0x2  }
0xb4: {  	_ =	swait.ge @!p0 [sflag:s0], s1  }
0xb5: {  	s1 =	ssub.s32 @!p0 $0x0, s1;
	[sflag:s0] =	ssyncset.done @!p0 $0x0  }
0xb6: {  	[sflag:s0] =	ssyncadd.s32 @!p0 s1  }
0xb7: {  	[bflag:$0x3] =	sbarrier.arrive $0xFFFF  }
0xb8: {  	_ =	shalt  }

// kernel: kernel.9.cloned.1.call-start
scs
__scs_entry_jumppad:
0x0: {  	(pc) =	sbr.rel $0x88, $3  }
0x1: {  	(tag) =	ssettag $0x0;
	lr =	simm.s32 $0x1  }
0x2: {  	[smem:$0x3F97] =	sst lr;
	_ =	strace $0xD0000000  }
0x3: {  	_ = 	snop  }
0x4: {  	_ = 	snop  }
0x5: {  	_ = 	snop  }
0x6: {  	_ = 	snop  }
0x7: {  	_ = 	snop  }
__scs_overlays_trampoline_lowered:
0x8: {  	[smem:$0x3FA6] =	sst s0  }
0x9: {  	[smem:$0x3FA7] =	sst s1  }
0xa: {  	[smem:$0x3FA8] =	sst s2  }
0xb: {  	[smem:$0x3FA9] =	sst s3  }
0xc: {  	[smem:$0x3FAA] =	sst s4  }
0xd: {  	[smem:$0x3FAB] =	sst s5  }
0xe: {  	[smem:$0x3FAC] =	sst s6  }
0xf: {  	[smem:$0x3FAD] =	sst s7  }
0x10: {  	[smem:$0x3FAE] =	sst s8  }
0x11: {  	[smem:$0x3FAF] =	sst s9;
	s0 =	simm.s32 @!p0 $0x0  }
0x12: {  	s1 =	sld [smem:$0x3F95];
	s0 =	simm.s32 @p0 $0x1  }
0x13: {  	[smem:$0x3FB0] =	sst s0;
	s0 =	simm.s32 @!p1 $0x0  }
0x14: {  	s2 =	sld [smem:$0x3F94];
	s0 =	simm.s32 @p1 $0x1  }
0x15: {  	[smem:$0x3FB1] =	sst s0;
	s0 =	simm.s32 @!p2 $0x0  }
0x16: {  	s3 =	sld [smem:$0x3FDB];
	s0 =	simm.s32 @p2 $0x1  }
0x17: {  	s4 =	simm.s32 $0x1BF5;
	[smem:$0x3FB3] =	sst s0  }
0x18: {  	s0 =	sld [smem:$0x3F96];
	_ =	swait.ge [sflag:s4], $0x0  }
0x19: {  	s7 =	sld [smem:$0x3F97]  }
0x1a: {  	s8 =	sadd.s32 $0xFFFFE003, lr  }
0x1b: {  	s9 =	sadd.s32 $0xFFFFFEF7, lr;
	s5 =	simm.s32 $0xFFFFFFFF;
	p2 =	slt.u32 s8, $0xFFFFF086  }
0x1c: {  	p1 =	slt.u32 s9, $0xF7A;
	s5 =	simm.s32 @!p2 $0x0  }
0x1d: {  	s5 =	simm.s32 @p1 $0x1;
	p0 =	seq.s32 s7, s2  }
0x1e: {  	s7 =	smul.u32 @!p0 $0xF7A, s2;
	p2 =	seq.s32 @!p0 s5, $0x0  }
0x1f: {  	s9 =	smul.u32 $0xF7A, s1;
	s8 =	simm.s32 @!p0 $0x1BF5;
	p2 =	por !p2, p0  }
0x20: {  	[sflag:s8] =	ssyncset.s32 @!p0 $0xFFFFF086;
	s6 =	sadd.s32 @!p0 s3, s7;
	s7 =	simm.s32 @!p0 $0x108  }
0x21: {  	s3 =	sadd.s32 s3, s9;
	s6 =	sadd.s32 @!p0 $0x88, s6;
	s7 =	simm.s32 @p2 $0x1082  }
0x22: {  	[simem:s7], [sflag:s8] =	dma.local @!p0 [hbm:s6], $0xF7A  }
0x23: {  	s9 =	sor.u32 $0xD0000000, s2;
	s6 =	simm.s32 $0x108;
	_ =	swait.ge @!p0 [sflag:s8], $0x0  }
0x24: {  	s3 =	sadd.s32 $0x88, s3;
	s6 =	simm.s32 @!p1 $0x1082;
	[sflag:s4] =	ssyncset.s32 $0xFFFFF086  }
0x25: {  	[simem:s6], [sflag:s4] =	dma.local [hbm:s3], $0xF7A  }
0x26: {  	[smem:$0x3F97] =	sst s1;
	(tag) =	ssettag s2;
	_ =	strace s9  }
0x27: {  	s1 =	sld [smem:$0x3FA7]  }
0x28: {  	s2 =	sld [smem:$0x3FA8]  }
0x29: {  	s4 =	sld [smem:$0x3FAA]  }
0x2a: {  	p0 =	seq.s32 s5, $0x0;
	s5 =	sld [smem:$0x3FAB]  }
0x2b: {  	s6 =	sld [smem:$0x3FAC]  }
0x2c: {  	s7 =	sld [smem:$0x3FAD]  }
0x2d: {  	s3 =	simm.s32 $0x108;
	s8 =	sld [smem:$0x3FAE]  }
0x2e: {  	s3 =	simm.s32 @!p0 $0x1082;
	s9 =	sld [smem:$0x3FAF]  }
0x2f: {  	lr =	sadd.s32 s0, s3;
	s0 =	sld [smem:$0x3FA6]  }
0x30: {  	s3 =	sld [smem:$0x3FA9]  }
0x31: {  	[smem:$0x3FB2] =	sst s10  }
0x32: {  	s10 =	sld [smem:$0x3FB0];
	_ =	sdelay $0x3  }
0x33: {  	p0 =	seq.s32 s10, $0x1;
	s10 =	sld [smem:$0x3FB2];
	_ =	sdelay $0x3  }
0x34: {  	[smem:$0x3FB2] =	sst s10  }
0x35: {  	s10 =	sld [smem:$0x3FB1];
	_ =	sdelay $0x3  }
0x36: {  	p1 =	seq.s32 s10, $0x1;
	s10 =	sld [smem:$0x3FB2];
	_ =	sdelay $0x3  }
0x37: {  	[smem:$0x3FB2] =	sst s10  }
0x38: {  	s10 =	sld [smem:$0x3FB3]  }
0x39: {  	_ = 	snop;
	(pc) =	sbr.ind lr, $3  }
0x3a: {  	_ = 	snop  }
0x3b: {  	_ = 	snop  }
0x3c: {  	p2 =	seq.s32 s10, $0x1;
	s10 =	sld [smem:$0x3FB2]  }
0x3d: {  	_ =	shalt  }
0x3e: {  	_ =	shalt  }
0x3f: {  	_ =	shalt  }
0x40: {  	_ =	shalt  }
0x41: {  	_ =	shalt  }
0x42: {  	_ =	shalt  }
0x43: {  	_ =	shalt  }
0x44: {  	_ =	shalt  }
0x45: {  	_ =	shalt  }
0x46: {  	_ =	shalt  }
0x47: {  	_ =	shalt  }
0x48: {  	_ =	shalt  }
0x49: {  	_ =	shalt  }
0x4a: {  	_ =	shalt  }
0x4b: {  	_ =	shalt  }
0x4c: {  	_ =	shalt  }
0x4d: {  	_ =	shalt  }
0x4e: {  	_ =	shalt  }
0x4f: {  	_ =	shalt  }
0x50: {  	_ =	shalt  }
0x51: {  	_ =	shalt  }
0x52: {  	_ =	shalt  }
0x53: {  	_ =	shalt  }
0x54: {  	_ =	shalt  }
0x55: {  	_ =	shalt  }
0x56: {  	_ =	shalt  }
0x57: {  	_ =	shalt  }
0x58: {  	_ =	shalt  }
0x59: {  	_ =	shalt  }
0x5a: {  	_ =	shalt  }
0x5b: {  	_ =	shalt  }
0x5c: {  	_ =	shalt  }
0x5d: {  	_ =	shalt  }
0x5e: {  	_ =	shalt  }
0x5f: {  	_ =	shalt  }
0x60: {  	_ =	shalt  }
0x61: {  	_ =	shalt  }
0x62: {  	_ =	shalt  }
0x63: {  	_ =	shalt  }
0x64: {  	_ =	shalt  }
0x65: {  	_ =	shalt  }
0x66: {  	_ =	shalt  }
0x67: {  	_ =	shalt  }
0x68: {  	_ =	shalt  }
0x69: {  	_ =	shalt  }
0x6a: {  	_ =	shalt  }
0x6b: {  	_ =	shalt  }
0x6c: {  	_ =	shalt  }
0x6d: {  	_ =	shalt  }
0x6e: {  	_ =	shalt  }
0x6f: {  	_ =	shalt  }
0x70: {  	_ =	shalt  }
0x71: {  	_ =	shalt  }
0x72: {  	_ =	shalt  }
0x73: {  	_ =	shalt  }
0x74: {  	_ =	shalt  }
0x75: {  	_ =	shalt  }
0x76: {  	_ =	shalt  }
0x77: {  	_ =	shalt  }
0x78: {  	_ =	shalt  }
0x79: {  	_ =	shalt  }
0x7a: {  	_ =	shalt  }
0x7b: {  	_ =	shalt  }
0x7c: {  	_ =	shalt  }
0x7d: {  	_ =	shalt  }
0x7e: {  	_ =	shalt  }
0x7f: {  	_ =	shalt  }
0x80: {  	_ =	shalt  }
0x81: {  	_ =	shalt  }
0x82: {  	_ =	shalt  }
0x83: {  	_ =	shalt  }
0x84: {  	_ =	shalt  }
0x85: {  	_ =	shalt  }
0x86: {  	_ =	shalt  }
0x87: {  	_ =	shalt  }
.Lfunc_end0:
.L_simem_size_0:
called_computation.1_lowered:
.L_overlay_start_0:
0x88: {  	s2 =	sld [smem:$0x3FD9]  }
0x89: {  	s3 =	sld [smem:$0x3FFE];
	_ =	sdelay $0x1  }
0x8a: {  	s1 =	srdreg.scid  }
0x8b: {  	s0 =	sand.u32 $0x1, s1  }
0x8c: {  	s17 =	sshll.u32 s0, $0xA;
	s2 =	sadd.s32 s3, s2  }
0x8d: {  	s2 =	sadd.s32 s2, s17  }
0x8e: {  	[smem:$0x3FBE] =	sst s2  }
0x8f: {  	_ = 	snop  }
0x90: {  	s2 =	sld [smem:$0x3FC7];
	(tm) =	ssettm $0x1  }
0x91: {  	s18 =	sld [smem:$0x3FFB];
	_ =	sdelay $0x3  }
0x92: {  	_ =	strace s18  }
0x93: {  	s3 =	sld [smem:$0x3FFC];
	_ =	sdelay $0x3  }
0x94: {  	_ =	strace s3  }
0x95: {  	s3 =	sld [smem:$0x3FFD];
	_ =	sdelay $0x3  }
0x96: {  	_ =	strace s3  }
0x97: {  	_ =	strace $0x8FFFFFFF  }
0x98: {  	s19 =	sld [smem:$0x3FDB];
	_ =	sdelay $0x1  }
0x99: {  	s4 =	simm.s32 $_scs_section_size  }
0x9a: {  	s5 =	simm.s32 $_size__tile_overlayer_lowered;
	s6 =	simm.s32 $_tile_overlayer_lowered  }
0x9b: {  	s22 =	simm.s32 $0x1BFF;
	s21 =	sshll.u32 s6, $0x1;
	s3 =	sadd.s32 s4, s19  }
0x9c: {  	s7 =	simm.s32 $0x0;
	s20 =	sshll.u32 s5, $0x1;
	s5 =	sadd.s32 s21, s3  }
0x9d: {  	[timem:s7], [sflag:s22] =	dma.local [hbm:s5], s20  }
0x9e: {  	_ =	swait.ge [sflag:s22], s20  }
0x9f: {  	s4 =	ssub.s32 $0x0, s20;
	[sflag:s22] =	ssyncset.done $0x0  }
0xa0: {  	[sflag:s22] =	ssyncadd.s32 s4;
	_ =	sdelay $0x1  }
0xa1: {  	s23 =	simm.s32 $0x1B8B  }
0xa2: {  	_ =	swait.ge [sflag:s23], $0x1  }
0xa3: {  	[sflag:s23] =	ssyncset.done $0x0  }
0xa4: {  	s25 =	simm.s32 $0x1B8E;
	s24 =	sld [smem:$0x3FFE];
	[sflag:s23] =	ssyncadd.s32 $0xFFFFFFFF  }
0xa5: {  	s26 =	simm.s32 $execute0_lowered;
	[smem:$0x3FD2] =	sst s25  }
0xa6: {  	s5 =	sshll.u32 s26, $0x1;
	_ =	strace $0x80000049;
	[dreg:$0x1] =	wrdreg $0xFFFFFFFF  }
0xa7: {  	s28 =	simm.s32 $_size_execute0_lowered;
	s3 =	sadd.s32 s3, s5;
	[dreg:$0x0] =	wrdreg $0x0  }
0xa8: {  	s5 =	sshll.u32 s28, $0x1;
	[dreg:$0x2] =	wrdreg s3  }
0xa9: {  	[dreg:$0x3] =	wrdreg s5  }
0xaa: {  	[dreg:$0x4] =	wrdreg $0xC0  }
0xab: {  	_ =	task [dreg:s7], $0x5FFFF  }
0xac: {  	[dreg:$0x1] =	wrdreg $0xFFFFFFFF  }
0xad: {  	[dreg:$0x0] =	wrdreg $0x60  }
0xae: {  	[dreg:$0x2] =	wrdreg s24  }
0xaf: {  	[dreg:$0x3] =	wrdreg s2  }
0xb0: {  	[dreg:$0x4] =	wrdreg $0xA9400  }
0xb1: {  	[dreg:$0x5] =	wrdreg $0x9  }
0xb2: {  	_ =	task.clear_ibuf [dreg:s7], $0x6FFFF;
	_ =	strace $0x90000049  }
0xb3: {  	s29 =	simm.s32 $0x9;
	_ =	strace $0x8000004B  }
0xb4: {  	_ =	swait.ge [sflag:s29], $0x1  }
0xb5: {  	[sflag:s29] =	ssyncadd.s32 $0xFFFFFFFF  }
0xb6: {  	_ =	strace $0x9000004B  }
0xb7: {  	_ =	sfence  }
0xb8: {  	s30 =	sld [smem:$0x0];
	_ =	sdelay $0x2  }
0xb9: {  	s31 =	sshll.u32 s1, $0xD;
	s1 =	sshrl.u32 s1, $0x2  }
0xba: {  	s3 =	sand.u32 $0x4000, s31;
	s1 =	sadd.s32 s1, s30  }
0xbb: {  	s0 =	sor.u32 s3, s0;
	s1 =	sshll.u32 s1, $0x11  }
0xbc: {  	s0 =	sor.u32 s1, s0  }
0xbd: {  	s0 =	sadd.s32 $0x8F2B, s0  }
0xbe: {  	[sflag:s0] =	ssyncadd.remote.s32 $0x1  }
0xbf: {  	_ =	sfence.sel $0xFFFF  }
0xc0: {  	[dreg:$0x0] =	wrdreg $0xFFFFFFFF;
	(pc) =	sbr.abs _section_cstart, $3  }
0xc1: {  	[dreg:$0x1] =	wrdreg $0xFFFFFFFF  }
0xc2: {  	_ =	task.clear_ibuf [dreg:s7], $0x2FFFF;
	_ =	strace $0x9FFFFFFF  }
0xc3: {  	(tm) =	ssettm $0x7FFFFFFF  }
tec
execute0_lowered:
.L_overlay_start_1:
0x0: {  	(tag) =	ssettag $0x1  }
0x1: {  	s0 =	rddreg [dreg:$0x0]  }
0x2: {  	s1 =	rddreg [dreg:$0x1]  }
0x3: {  	s2 =	rddreg [dreg:$0x2];
	s3 =	simm.s32 $0x0;
	s4 =	srdreg.scid  }
0x4: {  	s10 =	stileid.u32;
	s28 =	simm.s32 $0x2;
	s29 =	simm.s32 $0x7D0  }
0x5: {  	s30 =	simm.s32 $0xFA0;
	s31 =	simm.s32 $0x1770;
	[smem:$0x7FF] =	sst s3  }
0x6: {  	s5 =	sadd.s32 $0x19C00, s0;
	s6 =	sadd.s32 $0x1400, s0;
	s7 =	sadd.s32 $0x1B9000, s0  }
0x7: {  	s4 =	sand.u32 $0x1, s4;
	s9 =	smul.u32 $0x50000, s10;
	s8 =	sadd.s32 $0x33FC00, s0  }
0x8: {  	s13 =	smul.u32 $0x280, s10;
	_ =	strace $0x8000004A;
	s12 =	ssub.s32 $0x2, s4  }
0x9: {  	s4 =	smul.u32 $0xA, s4;
	s14 =	sshrl.u32 s12, $0x1;
	s9 =	sshrl.u32 s9, $0x2  }
0xa: {  	s16 =	sadd.s32 $0x80, s13;
	s20 =	sadd.s32 $0x100, s13;
	[dreg:$0xd] =	wrdreg s13  }
0xb: {  	s21 =	sadd.s32 $0x180, s13;
	s24 =	sadd.s32 $0x200, s13;
	[dreg:$0x4] =	wrdreg s4  }
0xc: {  	s13 =	simm.s32 $0x80;
	s0 =	ssub.s32 s12, s14;
	[dreg:$0x7] =	wrdreg s16  }
0xd: {  	s11 =	sadd.s32 s9, s2;
	s12 =	smul.u32 $0xC350, s10;
	[dreg:$0xc] =	wrdreg s20  }
0xe: {  	s22 =	smov.u32 s21;
	s25 =	sshll.u32 s21, $0x7;
	s21 =	smov.u32 s24  }
0xf: {  	s26 =	sshll.u32 s24, $0x7;
	s4 =	simm.s32 $0x1;
	s9 =	simm.s32 $0x2940  }
0x10: {  	s14 =	simm.s32 $0x0;
	s0 =	smax.u32 s0, $0x1;
	s15 =	sadd.s32 $0x4000, s11  }
0x11: {  	v0 =	vimm.f32 $0.0e+00;
	v1 =	vimm.s32 $0x1;
	v2 =	vlaneseq.u32;
	s17 =	sadd.s32 $0x8000, s11;
	s18 =	sadd.s32 $0xC000, s11;
	[dreg:$0x5] =	wrdreg s0  }
.Ltmp0:
0x12: {  	v3 =	vor.u32 $0x2800, v2;
	v4 =	vor.u32 $0x10, v2;
	v5 =	vor.u32 $0x2810, v2;
	s19 =	sadd.s32 $0x10000, s11;
	[dreg:$0x6] =	wrdreg s15;
	(pc) =	sbr.rel .LBB2_1-.Ltmp0, $4  }
0x13: {  	v6 =	vor.u32 $0x20, v2;
	v7 =	vor.u32 $0x2820, v2;
	v8 =	vor.u32 $0x30, v2;
	s24 =	sadd.s32 s25, s2;
	[dreg:$0x8] =	wrdreg s17;
	s0 =	sshll.u32 s16, $0x7  }
0x14: {  	v9 =	vor.u32 $0x2830, v2;
	v10 =	vor.u32 $0x40, v2;
	v11 =	vor.u32 $0x2840, v2;
	s25 =	sadd.s32 s26, s2;
	[dreg:$0x9] =	wrdreg s18;
	s0 =	sadd.s32 s0, s2  }
0x15: {  	v12 =	vor.u32 $0x50, v2;
	v13 =	vor.u32 $0x2850, v2;
	v14 =	vor.u32 $0x60, v2;
	s26 =	simm.s32 $0x6940;
	[dreg:$0xb] =	wrdreg s0;
	s0 =	sshll.u32 s20, $0x7  }
0x16: {  	v15 =	vor.u32 $0x2860, v2;
	v16 =	vor.u32 $0x70, v2;
	v17 =	vor.u32 $0x2870, v2;
	[dreg:$0xa] =	wrdreg s19;
	s23 =	sadd.s32 s0, s2;
	s0 =	simm.s32 $0x2040  }
.LBB2_13:
0x17: {  	s14 =	rddreg [dreg:$0xe]  }
0x18: {  	s10 =	rddreg [dreg:$0x5];
	s14 =	sadd.s32 $0x1, s14  }
0x19: {  	p0 =	sne.s32 s14, s10  }
.Ltmp1:
0x1a: {  	_ = 	snop;
	(pc) =	sbr.rel @!p0 .LBB2_14-.Ltmp1, $1  }
0x1b: {  	_ =	sdelay $0x3  }
.LBB2_1:
0x1c: {  	[dreg:$0xe] =	wrdreg s14;
	s14 =	simm.s32 $0x0;
	s10 =	simm.s32 $0x200  }
.LBB2_2:
0x1d: {  	p0 =	sne.s32 s10, $0xFE00;
	[tilespmem:s14+$0x69B0] =	vst v0  }
0x1e: {  	[tilespmem:s14+$0x6940] =	vst v0  }
0x1f: {  	[tilespmem:s14+$0x6950] =	vst v0  }
.Ltmp2:
0x20: {  	[tilespmem:s14+$0x6960] =	vst v0;
	(pc) =	sbr.rel @p0 .LBB2_2-.Ltmp2, $4  }
0x21: {  	[tilespmem:s14+$0x6970] =	vst v0  }
0x22: {  	[tilespmem:s14+$0x6980] =	vst v0  }
0x23: {  	[tilespmem:s14+$0x6990] =	vst v0  }
0x24: {  	[tilespmem:s14+$0x69A0] =	vst v0;
	s14 =	sshra.s32 s10, $0x2;
	s10 =	sadd.s32 $0x200, s10  }
0x25: {  	[tilespmem:s14+$0x69B0] =	vst v0  }
0x26: {  	[tilespmem:s14+$0x6940] =	vst v0  }
0x27: {  	[tilespmem:s14+$0x6950] =	vst v0  }
.Ltmp3:
0x28: {  	[tilespmem:s14+$0x6960] =	vst v0;
	(pc) =	sbr.rel .LBB2_4-.Ltmp3, $4  }
0x29: {  	[tilespmem:s14+$0x6970] =	vst v0  }
0x2a: {  	[tilespmem:s14+$0x6980] =	vst v0  }
0x2b: {  	[tilespmem:s14+$0x6990] =	vst v0  }
0x2c: {  	s10 =	simm.s32 $0x0;
	[tilespmem:s14+$0x69A0] =	vst v0  }
.LBB2_12:
0x2d: {  	[bflag:$0x0] =	sbarrier.arrive $0xFFFF  }
0x2e: {  	[tilespmem:s9], [sflag:$0x2] =	stream.linear.gather [spmem:s11], $0x4000, $0x38;
	[tilespmem:$0x1ED40] =	vst v63  }
0x2f: {  	s14 =	smul.u32 $0x2800, s14;
	_ =	swait.ge [sflag:s28], $0x4000  }
0x30: {  	s15 =	rddreg [dreg:$0xd]  }
0x31: {  	s15 =	sadd.s32 s14, s15  }
0x32: {  	[sflag:s28] =	ssyncset.done $0x0;
	s15 =	sshll.u32 s15, $0x4  }
0x33: {  	[sflag:s28] =	ssyncadd.s32 $0xFFFFC000;
	s15 =	sadd.s32 s8, s15  }
0x34: {  	[hbm4b:s15+s3] =	stream.linear.scatter [tilespmem:s9], [sflag:$0x2], $0x4000, $0x38;
	[tilespmem:$0x1ED40] =	vst v63  }
0x35: {  	_ =	swait.ge [sflag:s28], $0x4000  }
0x36: {  	[sflag:s28] =	ssyncset.done $0x0  }
0x37: {  	s17 =	rddreg [dreg:$0xb];
	[sflag:s28] =	ssyncadd.s32 $0xFFFFC000  }
0x38: {  	[tilespmem:s9], [sflag:$0x2] =	stream.linear.gather [spmem:s17], $0x4000, $0x38;
	[tilespmem:$0x1ED40] =	vst v63  }
0x39: {  	_ =	swait.ge [sflag:s28], $0x4000  }
0x3a: {  	s18 =	rddreg [dreg:$0x7]  }
0x3b: {  	s15 =	sadd.s32 s14, s18  }
0x3c: {  	[sflag:s28] =	ssyncset.done $0x0;
	s15 =	sshll.u32 s15, $0x4  }
0x3d: {  	[sflag:s28] =	ssyncadd.s32 $0xFFFFC000;
	s15 =	sadd.s32 s8, s15  }
0x3e: {  	[hbm4b:s15+s3] =	stream.linear.scatter [tilespmem:s9], [sflag:$0x2], $0x4000, $0x38;
	[tilespmem:$0x1ED40] =	vst v63  }
0x3f: {  	_ =	swait.ge [sflag:s28], $0x4000  }
0x40: {  	[sflag:s28] =	ssyncset.done $0x0  }
0x41: {  	[sflag:s28] =	ssyncadd.s32 $0xFFFFC000  }
0x42: {  	[tilespmem:s9], [sflag:$0x2] =	stream.linear.gather [spmem:s23], $0x4000, $0x38;
	[tilespmem:$0x1ED40] =	vst v63  }
0x43: {  	_ =	swait.ge [sflag:s28], $0x4000  }
0x44: {  	s19 =	rddreg [dreg:$0xc]  }
0x45: {  	s15 =	sadd.s32 s14, s19  }
0x46: {  	[sflag:s28] =	ssyncset.done $0x0;
	s15 =	sshll.u32 s15, $0x4  }
0x47: {  	[sflag:s28] =	ssyncadd.s32 $0xFFFFC000;
	s15 =	sadd.s32 s8, s15  }
0x48: {  	[hbm4b:s15+s3] =	stream.linear.scatter [tilespmem:s9], [sflag:$0x2], $0x4000, $0x38;
	[tilespmem:$0x1ED40] =	vst v63  }
0x49: {  	_ =	swait.ge [sflag:s28], $0x4000  }
0x4a: {  	[sflag:s28] =	ssyncset.done $0x0  }
0x4b: {  	[sflag:s28] =	ssyncadd.s32 $0xFFFFC000  }
0x4c: {  	[tilespmem:s9], [sflag:$0x2] =	stream.linear.gather [spmem:s24], $0x4000, $0x38;
	[tilespmem:$0x1ED40] =	vst v63  }
0x4d: {  	s20 =	sadd.s32 s14, s22;
	_ =	swait.ge [sflag:s28], $0x4000  }
0x4e: {  	s15 =	sshll.u32 s20, $0x4;
	[sflag:s28] =	ssyncset.done $0x0  }
0x4f: {  	s15 =	sadd.s32 s8, s15;
	[sflag:s28] =	ssyncadd.s32 $0xFFFFC000  }
0x50: {  	[hbm4b:s15+s3] =	stream.linear.scatter [tilespmem:s9], [sflag:$0x2], $0x4000, $0x38;
	[tilespmem:$0x1ED40] =	vst v63  }
0x51: {  	_ =	swait.ge [sflag:s28], $0x4000  }
0x52: {  	[sflag:s28] =	ssyncset.done $0x0  }
0x53: {  	[sflag:s28] =	ssyncadd.s32 $0xFFFFC000  }
0x54: {  	[tilespmem:s9], [sflag:$0x2] =	stream.linear.gather [spmem:s25], $0x4000, $0x38;
	[tilespmem:$0x1ED40] =	vst v63  }
0x55: {  	s14 =	sadd.s32 s14, s21;
	_ =	swait.ge [sflag:s28], $0x4000  }
0x56: {  	s10 =	sadd.s32 $0x1, s10;
	s14 =	sshll.u32 s14, $0x4;
	[sflag:s28] =	ssyncset.done $0x0  }
0x57: {  	p0 =	sne.s32 s10, $0xA;
	s14 =	sadd.s32 s8, s14;
	[sflag:s28] =	ssyncadd.s32 $0xFFFFC000  }
0x58: {  	[hbm4b:s14+s3] =	stream.linear.scatter [tilespmem:s9], [sflag:$0x2], $0x4000, $0x38;
	[tilespmem:$0x1ED40] =	vst v63  }
.Ltmp4:
0x59: {  	_ =	swait.ge [sflag:s28], $0x4000;
	(pc) =	sbr.rel @!p0 .LBB2_13-.Ltmp4, $3  }
0x5a: {  	[sflag:s28] =	ssyncset.done $0x0  }
0x5b: {  	[sflag:s28] =	ssyncadd.s32 $0xFFFFC000  }
0x5c: {  	[bflag:$0x0] =	sbarrier.arrive $0xFFFF;
	_ =	sdelay $0x1  }
.LBB2_4:
0x5d: {  	[spmem:s11] =	stream.linear.scatter [tilespmem:s26], [sflag:$0x2], $0x4000, $0x38;
	[tilespmem:$0x1ED40] =	vst v63  }
0x5e: {  	_ =	swait.ge [sflag:s28], $0x4000  }
0x5f: {  	[sflag:s28] =	ssyncset.done $0x0  }
0x60: {  	s14 =	rddreg [dreg:$0x6];
	[sflag:s28] =	ssyncadd.s32 $0xFFFFC000  }
0x61: {  	[spmem:s14] =	stream.linear.scatter [tilespmem:s26], [sflag:$0x2], $0x4000, $0x38;
	[tilespmem:$0x1ED40] =	vst v63  }
0x62: {  	_ =	swait.ge [sflag:s28], $0x4000  }
0x63: {  	[sflag:s28] =	ssyncset.done $0x0  }
0x64: {  	s17 =	rddreg [dreg:$0x8];
	[sflag:s28] =	ssyncadd.s32 $0xFFFFC000  }
0x65: {  	[spmem:s17] =	stream.linear.scatter [tilespmem:s26], [sflag:$0x2], $0x4000, $0x38;
	[tilespmem:$0x1ED40] =	vst v63  }
0x66: {  	_ =	swait.ge [sflag:s28], $0x4000  }
0x67: {  	[sflag:s28] =	ssyncset.done $0x0  }
0x68: {  	s18 =	rddreg [dreg:$0x9];
	[sflag:s28] =	ssyncadd.s32 $0xFFFFC000  }
0x69: {  	[spmem:s18] =	stream.linear.scatter [tilespmem:s26], [sflag:$0x2], $0x4000, $0x38;
	[tilespmem:$0x1ED40] =	vst v63  }
0x6a: {  	_ =	swait.ge [sflag:s28], $0x4000  }
0x6b: {  	[sflag:s28] =	ssyncset.done $0x0  }
0x6c: {  	s19 =	rddreg [dreg:$0xa];
	[sflag:s28] =	ssyncadd.s32 $0xFFFFC000  }
0x6d: {  	[spmem:s19] =	stream.linear.scatter [tilespmem:s26], [sflag:$0x2], $0x4000, $0x38;
	[tilespmem:$0x1ED40] =	vst v63  }
0x6e: {  	_ =	swait.ge [sflag:s28], $0x4000  }
.Ltmp5:
0x6f: {  	s20 =	rddreg [dreg:$0x4];
	(pc) =	sbr.rel .LBB2_5-.Ltmp5, $4  }
0x70: {  	[sflag:s28] =	ssyncset.done $0x0;
	s14 =	sadd.s32 s20, s10  }
0x71: {  	[sflag:s28] =	ssyncadd.s32 $0xFFFFC000;
	s15 =	smul.u32 $0xFFFFF600, s14  }
0x72: {  	[bflag:$0x0] =	sbarrier.arrive $0xFFFF  }
0x73: {  	v18 =	vmov s15;
	s15 =	simm.s32 $0x0  }
.LBB2_10:
0x74: {  	[sflag:s28] =	ssyncadd.s32 $0xFFFFC000  }
.LBB2_11:
0x75: {  	s15 =	sadd.s32 $0x1, s15  }
0x76: {  	p0 =	sne.s32 s15, $0x19  }
.Ltmp6:
0x77: {  	_ = 	snop;
	(pc) =	sbr.rel @!p0 .LBB2_12-.Ltmp6, $1  }
0x78: {  	_ =	sdelay $0x3  }
.LBB2_5:
0x79: {  	s16 =	smul.u32 $0x7D0, s15;
	_ =	sdelay $0x1  }
0x7a: {  	s16 =	sadd.s32 s12, s16  }
0x7b: {  	s17 =	sshrl.u32 s16, $0x3  }
0x7c: {  	s16 =	simm.s32 $0x0;
	s18 =	sadd.s32 s5, s17  }
0x7d: {  	[tilespmem:s16], [sflag:$0x2] =	stream.linear.gather [hbm4b:s18+s16], $0x7D0, $0x38;
	[tilespmem:$0x1ED40] =	vst v63  }
0x7e: {  	_ =	swait.ge [sflag:s28], $0x7D0  }
0x7f: {  	[sflag:s28] =	ssyncset.done $0x0  }
0x80: {  	s19 =	sadd.s32 s6, s17;
	[sflag:s28] =	ssyncadd.s32 $0xFFFFF830  }
0x81: {  	[tilespmem:s29], [sflag:$0x2] =	stream.linear.gather [hbm4b:s19+s16], $0x7D0, $0x38;
	[tilespmem:$0x1ED40] =	vst v63  }
0x82: {  	_ =	swait.ge [sflag:s28], $0x7D0  }
0x83: {  	[sflag:s28] =	ssyncset.done $0x0  }
0x84: {  	s17 =	sadd.s32 s1, s17;
	[sflag:s28] =	ssyncadd.s32 $0xFFFFF830  }
0x85: {  	[tilespmem:s30], [sflag:$0x2] =	stream.linear.gather [hbm4b:s17+s16], $0x7D0, $0x38;
	[tilespmem:$0x1ED40] =	vst v63  }
0x86: {  	_ =	swait.ge [sflag:s28], $0x7D0  }
0x87: {  	[sflag:s28] =	ssyncset.done $0x0  }
0x88: {  	s20 =	simm.s32 $0x0;
	[sflag:s28] =	ssyncadd.s32 $0xFFFFF830  }
0x89: {  	v19 =	vld [tilespmem:s20+$0x7D0];
	_ =	sdelay $0x4  }
0x8a: {  	v19 =	vadd.s32 v18, v19  }
0x8b: {  	vm0 =	vlt.u32 v19, $0xA00  }
0x8c: {  	v20 =	vmpcnt.ones.xlane vm0;
	_ =	sdelay $0x1  }
0x8d: {  	(xrf0) =	vadd.scan.msk.s32 vm0, v1;
	v20 =	vxor.u32 $0x80000000, v20  }
0x8e: {  	(xrf0) =	vmax.scan.msk.u32 $0xffff, v20;
	_ =	sdelay $0x1  }
0x8f: {  	v21 =	vmov s16  }
0x90: {  	v21 =	vadd.s32 $0xFFFFFFFF, v21  }
0x91: {  	v21 =	vbroadcast v21, $0x0  }
0x92: {  	v22 =	vld [tilespmem:s20+$0x0];
	v20, _, _ =	vpop (xrf0)  }
0x93: {  	v23 =	vld [tilespmem:s20+$0xFA0];
	v20 =	vadd.s32 v20, v21;
	v63, _, _ =	vpop (xrf0)  }
0x94: {  	(v2sf) =	vpush v63, $0xF;
	_ =	sdelay $0x2  }
0x95: {  	v19 =	vshll.u32 v19, $0x2  }
0x96: {  	v19 =	vadd.s32 v23, v19;
	[tilespmem:v20+s31+$0x0] =	vst.idx.msk vm0, v22  }
0x97: {  	s18 =	simm.s32 $0x80;
	s17 =	simm.s32 $0x10;
	[tilespmem:v20+s0+$0x0] =	vst.idx.msk vm0, v19  }
.LBB2_6:
0x98: {  	p0 =	sne.s32 s18, $0x1F00;
	v19 =	vld [tilespmem:s17+$0x7D0];
	_ =	sdelay $0x4  }
0x99: {  	v19 =	vadd.s32 v18, v19  }
0x9a: {  	vm0 =	vlt.u32 v19, $0xA00;
	v19 =	vshll.u32 v19, $0x2  }
0x9b: {  	v20 =	vmpcnt.ones.xlane vm0;
	(xrf0) =	vadd.scan.msk.s32 vm0, v1;
	_ =	sdelay $0x1  }
0x9c: {  	v20 =	vxor.u32 $0x80000000, v20;
	s19 =	spop (v2sf)  }
0x9d: {  	(xrf0) =	vmax.scan.msk.u32 $0xffff, v20;
	s16 =	sadd.s32 s19, s16  }
0x9e: {  	s16 =	sadd.s32 $0x80000000, s16  }
0x9f: {  	v20 =	vmov s16  }
0xa0: {  	v20 =	vadd.s32 $0xFFFFFFFF, v20;
	v21, _, _ =	vpop (xrf0)  }
0xa1: {  	v20 =	vbroadcast v20, $0x0  }
0xa2: {  	v22 =	vld [tilespmem:s17+$0x0]  }
0xa3: {  	v23 =	vld [tilespmem:s17+$0xFA0];
	v20 =	vadd.s32 v21, v20;
	v21, _, _ =	vpop (xrf0)  }
0xa4: {  	(v2sf) =	vpush v21, $0xF  }
.Ltmp7:
0xa5: {  	(pc) =	sbr.rel @p0 .LBB2_6-.Ltmp7, $3  }
0xa6: {  	_ =	sdelay $0x1  }
0xa7: {  	v19 =	vadd.s32 v23, v19;
	[tilespmem:v20+s31+$0x0] =	vst.idx.msk vm0, v22  }
0xa8: {  	s17 =	sshra.s32 s18, $0x2;
	s18 =	sadd.s32 $0x40, s18;
	[tilespmem:v20+s0+$0x0] =	vst.idx.msk vm0, v19  }
0xa9: {  	v19 =	vld [tilespmem:s17+$0x7D0];
	_ =	sdelay $0x4  }
0xaa: {  	v19 =	vadd.s32 v18, v19  }
0xab: {  	vm0 =	vlt.u32 v19, $0xA00  }
0xac: {  	v20 =	vmpcnt.ones.xlane vm0;
	_ =	sdelay $0x1  }
0xad: {  	(xrf0) =	vadd.scan.msk.s32 vm0, v1;
	v20 =	vxor.u32 $0x80000000, v20  }
0xae: {  	(xrf0) =	vmax.scan.msk.u32 $0xffff, v20;
	_ =	sdelay $0x4  }
0xaf: {  	v20, _, _ =	vpop (xrf0)  }
0xb0: {  	v21, _, _ =	vpop (xrf0)  }
0xb1: {  	(v2sf) =	vpush v21, $0xF;
	_ =	sdelay $0x8  }
0xb2: {  	s18 =	spop (v2sf)  }
0xb3: {  	s16 =	sadd.s32 s18, s16  }
0xb4: {  	s16 =	sadd.s32 $0x80000000, s16  }
0xb5: {  	v60 =	vmov s16  }
0xb6: {  	v21 =	vadd.s32 $0xFFFFFFFF, v60  }
0xb7: {  	v21 =	vbroadcast v21, $0x0  }
0xb8: {  	v22 =	vld [tilespmem:s17+$0x0];
	s20 =	spop (v2sf)  }
0xb9: {  	v23 =	vld [tilespmem:s17+$0xFA0];
	v20 =	vadd.s32 v20, v21;
	s16 =	sadd.s32 s20, s16  }
0xba: {  	s18 =	sadd.s32 $0x80000000, s16  }
0xbb: {  	v61 =	vadd.s32 s18, v2  }
0xbc: {  	s16 =	sadd.s32 $0x10, s18  }
0xbd: {  	v19 =	vshll.u32 v19, $0x2;
	v24 =	vadd.s32 s16, v2  }
0xbe: {  	v19 =	vadd.s32 v23, v19;
	[tilespmem:v20+s31+$0x0] =	vst.idx.msk vm0, v22;
	s19 =	sadd.s32 $0x20, s18  }
0xbf: {  	[tilespmem:v20+s0+$0x0] =	vst.idx.msk vm0, v19;
	s16 =	simm.s32 $0x1770;
	v19 =	vadd.s32 s19, v2  }
0xc0: {  	s17 =	simm.s32 $0x2040;
	s19 =	sadd.s32 $0x30, s18;
	[tilespmem:v61+s16+$0x0] =	vst.idx.msk $0xffff, v2  }
0xc1: {  	v20 =	vadd.s32 s19, v2;
	[tilespmem:v61+s17+$0x0] =	vst.idx.msk $0xffff, v3  }
0xc2: {  	[tilespmem:v24+s16+$0x0] =	vst.idx.msk $0xffff, v4  }
0xc3: {  	[tilespmem:v24+s17+$0x0] =	vst.idx.msk $0xffff, v5  }
0xc4: {  	s20 =	sadd.s32 $0x40, s18;
	[tilespmem:v19+s16+$0x0] =	vst.idx.msk $0xffff, v6  }
0xc5: {  	v62 =	vadd.s32 s20, v2;
	s20 =	sadd.s32 $0x50, s18;
	[tilespmem:v19+s17+$0x0] =	vst.idx.msk $0xffff, v7  }
0xc6: {  	s19 =	sadd.s32 $0x7F, s18;
	v19 =	vadd.s32 s20, v2;
	s20 =	sadd.s32 $0x60, s18;
	[tilespmem:v20+s16+$0x0] =	vst.idx.msk $0xffff, v8  }
0xc7: {  	p1 =	slt.s32 s19, $0x1;
	[tilespmem:v20+s17+$0x0] =	vst.idx.msk $0xffff, v9;
	v20 =	vadd.s32 s20, v2;
	s20 =	sand.u32 $0x7F, s19  }
0xc8: {  	s18 =	sadd.s32 $0x70, s18;
	p0 =	sne.s32 s20, $0x0;
	s20 =	sshra.s32 s19, $0x1F  }
0xc9: {  	v63 =	vadd.s32 s18, v2;
	s18 =	sshrl.u32 s20, $0x19;
	p0 =	por !p1, !p0  }
0xca: {  	s18 =	sadd.s32 s18, s19;
	p0 =	por !p0, !p0;
	s19 =	simm.s32 $0x1  }
0xcb: {  	[tilespmem:v62+s16+$0x0] =	vst.idx.msk $0xffff, v10;
	s18 =	sshra.s32 s18, $0x7;
	s19 =	simm.s32 @!p0 $0x0  }
0xcc: {  	[tilespmem:v62+s17+$0x0] =	vst.idx.msk $0xffff, v11;
	s18 =	ssub.s32 s18, s19  }
0xcd: {  	[tilespmem:v19+s16+$0x0] =	vst.idx.msk $0xffff, v12;
	p0 =	slt.s32 s18, $0x1  }
.Ltmp8:
0xce: {  	[tilespmem:v19+s17+$0x0] =	vst.idx.msk $0xffff, v13;
	(pc) =	sbr.rel @p0 .LBB2_11-.Ltmp8, $4  }
0xcf: {  	[tilespmem:v20+s16+$0x0] =	vst.idx.msk $0xffff, v14  }
0xd0: {  	[tilespmem:v20+s17+$0x0] =	vst.idx.msk $0xffff, v15  }
0xd1: {  	[tilespmem:v63+s16+$0x0] =	vst.idx.msk $0xffff, v16  }
0xd2: {  	[tilespmem:v63+s17+$0x0] =	vst.idx.msk $0xffff, v17  }
0xd3: {  	[tilespmem:s9], [sflag:$0x1] =	stream.indirect.gather [hbm4b:s7+s13], $0x80, s16, s13, $0xb8;
	[tilespmem:$0x1ED40] =	vst v63  }
0xd4: {  	p0 =	sne.s32 s18, $0x1;
	_ =	swait.ge [sflag:s4], $0x4000  }
.Ltmp9:
0xd5: {  	[sflag:s4] =	ssyncset.done $0x0;
	(pc) =	sbr.rel @!p0 .LBB2_10-.Ltmp9, $4  }
0xd6: {  	[sflag:s4] =	ssyncadd.s32 $0xFFFFC000  }
0xd7: {  	[spmem:s2] =	stream.indirect.scatter.add.f32 [tilespmem:s9], [sflag:$0x2], $0x80, s17, s13, $0xb8;
	[tilespmem:$0x1ED40] =	vst v63  }
0xd8: {  	_ =	swait.ge [sflag:s28], $0x4000  }
0xd9: {  	s18 =	sadd.s32 $0xFFFFFFFF, s18;
	[sflag:s28] =	ssyncset.done $0x0  }
.LBB2_9:
0xda: {  	[sflag:s28] =	ssyncadd.s32 $0xFFFFC000;
	s16 =	sadd.s32 $0x80, s16;
	s17 =	sadd.s32 $0x80, s17  }
0xdb: {  	[tilespmem:s9], [sflag:$0x1] =	stream.indirect.gather [hbm4b:s7+s13], $0x80, s16, s13, $0xb8;
	[tilespmem:$0x1ED40] =	vst v63  }
0xdc: {  	p0 =	sne.s32 s18, $0x1;
	s18 =	sadd.s32 $0xFFFFFFFF, s18;
	_ =	swait.ge [sflag:s4], $0x4000  }
.Ltmp10:
0xdd: {  	[sflag:s4] =	ssyncset.done $0x0;
	(pc) =	sbr.rel @p0 .LBB2_9-.Ltmp10, $4  }
0xde: {  	[sflag:s4] =	ssyncadd.s32 $0xFFFFC000  }
0xdf: {  	[spmem:s2] =	stream.indirect.scatter.add.f32 [tilespmem:s9], [sflag:$0x2], $0x80, s17, s13, $0xb8;
	[tilespmem:$0x1ED40] =	vst v63  }
0xe0: {  	_ =	swait.ge [sflag:s28], $0x4000  }
0xe1: {  	[sflag:s28] =	ssyncset.done $0x0  }
.Ltmp11:
0xe2: {  	_ = 	snop;
	(pc) =	sbr.rel .LBB2_10-.Ltmp11, $1  }
0xe3: {  	_ =	sdelay $0x3  }
.LBB2_14:
0xe4: {  	_ =	sfence.sel $0x180000  }
0xe5: {  	[bflag:$0x0] =	sbarrier.arrive $0xFFFF  }
0xe6: {  	_ =	strace $0x9000004A  }
0xe7: {  	s0 =	stileid.u32;
	[bflag:$0x2] =	sbarrier.arrive $0xFFFF  }
0xe8: {  	p0 =	sne.s32 s0, $0x0;
	s0 =	rddreg [dreg:$0x3]  }
0xe9: {  	s0 =	sadd.s32 @!p0 $0x100000, s0  }
0xea: {  	[sflag:s0] =	ssyncadd.tile.s32 @!p0 $0x1;
	_ =	shalt  }
.Lfunc_end2:
_tile_overlayer_lowered:
.L_overlay_start_2:
0xeb: {  	(tag) =	ssettag $0x2  }
0xec: {  	s0 =	rddreg [dreg:$0x0];
	s2 =	stileid.u32  }
0xed: {  	s1 =	rddreg [dreg:$0x1];
	p0 =	sne.s32 s2, $0x0  }
0xee: {  	s3 =	rddreg [dreg:$0x2];
	[bflag:$0x3] =	sbarrier.arrive $0xFFFF;
	s2 =	simm.s32 @!p0 $0x1C02  }
0xef: {  	[timem:s3], [sflag:s2] =	dma.local @!p0 [hbm:s0], s1  }
0xf0: {  	s0 =	simm.s32 @!p0 $0x2  }
0xf1: {  	_ =	swait.ge @!p0 [sflag:s0], s1  }
0xf2: {  	s1 =	ssub.s32 @!p0 $0x0, s1;
	[sflag:s0] =	ssyncset.done @!p0 $0x0  }
0xf3: {  	[sflag:s0] =	ssyncadd.s32 @!p0 s1  }
0xf4: {  	[bflag:$0x3] =	sbarrier.arrive $0xFFFF  }
0xf5: {  	_ =	shalt  }

</sc_bundles>
